<compile_context>
chip_gen: v7x
topology: tpu7x:2x2x1
jax: 0.10.2.dev20260603
libtpu: 0.0.44.dev20260713+nightly
codegen_flags: <defaults>
</compile_context>

<pallas_src>
import jax
import jax.numpy as jnp
from jax.experimental import pallas as pl
from jax.experimental.pallas import tpu as pltpu

_B = 16384
_D = 128
_R = _B // 128
_BS = 64
_GRID = _R // _BS


def _fused_kernel(u_full_ref, d2_full_ref, d1_ref, d2_ref, v1_ref, v2_ref,
                  out_ref, m_ref):
    @pl.when(pl.program_id(0) == 0)
    def _():
        u = u_full_ref[...]
        m_ref[0] = jnp.max(u)
        m_ref[1] = jnp.max(u - d2_full_ref[...])

    w2 = jnp.minimum(d2_ref[...], m_ref[0])
    w1 = jnp.minimum(d1_ref[...], m_ref[1])
    out_ref[...] = (v2_ref[...] * w2[:, :, None]
                    + v1_ref[...] * w1[:, :, None])


def _kernel_tc(u, d1, d2, v1, v2):
    u_r = u.reshape(128, 128)
    d1_r = d1.reshape(128, 128)
    d2_r = d2.reshape(128, 128)
    v1_r = v1.reshape(128, 128, _D)
    v2_r = v2.reshape(128, 128, _D)
    out = pl.pallas_call(
        _fused_kernel,
        grid=(_GRID,),
        in_specs=[
            pl.BlockSpec((128, 128), lambda i: (0, 0)),
            pl.BlockSpec((128, 128), lambda i: (0, 0)),
            pl.BlockSpec((_BS, 128), lambda i: (i, 0)),
            pl.BlockSpec((_BS, 128), lambda i: (i, 0)),
            pl.BlockSpec((_BS, 128, _D), lambda i: (i, 0, 0)),
            pl.BlockSpec((_BS, 128, _D), lambda i: (i, 0, 0)),
        ],
        out_specs=pl.BlockSpec((_BS, 128, _D), lambda i: (i, 0, 0)),
        out_shape=jax.ShapeDtypeStruct((128, 128, _D), jnp.float32),
        scratch_shapes=[pltpu.SMEM((2,), jnp.float32)],
    )(u_r, d2_r, d1_r, d2_r, v1_r, v2_r)
    return out.reshape(_B, _D)


from jax import lax
from jax.experimental.pallas import tpu_sc as plsc

_NC = 2
_NS = 16
_NW = _NC * _NS
_RPW = _B // _NW
_TR = 128
_NT = _RPW // _TR


def _sc_body(u_hbm, d1_hbm, d2_hbm, v1_hbm, v2_hbm, out_hbm,
             uf, d2f, d1c, d2c, w1s, w2s, av1, av2, v1t, v2t, outt):
    wid = lax.axis_index("s") * _NC + lax.axis_index("c")
    base = wid * _RPW

    pltpu.sync_copy(u_hbm, uf)
    pltpu.sync_copy(d2_hbm, d2f)
    pltpu.sync_copy(d1_hbm.at[pl.ds(base, _RPW)], d1c)
    pltpu.sync_copy(d2_hbm.at[pl.ds(base, _RPW)], d2c)

    def _max_step(i, carry):
        a1, a2 = carry
        uv = uf[pl.ds(i * 16, 16)]
        a1 = jnp.maximum(a1, uv)
        a2 = jnp.maximum(a2, uv - d2f[pl.ds(i * 16, 16)])
        return a1, a2

    neg = jnp.full((16,), -jnp.inf, jnp.float32)
    a1, a2 = lax.fori_loop(0, _B // 16, _max_step, (neg, neg))
    av1[...] = a1
    av2[...] = a2
    m1v = plsc.load_gather(av1, [jnp.full((16,), 0, jnp.int32)])
    m2v = plsc.load_gather(av2, [jnp.full((16,), 0, jnp.int32)])
    for i in range(1, 16):
        idx = jnp.full((16,), i, jnp.int32)
        m1v = jnp.maximum(m1v, plsc.load_gather(av1, [idx]))
        m2v = jnp.maximum(m2v, plsc.load_gather(av2, [idx]))

    def _w_step(j, _):
        sl = pl.ds(j * 16, 16)
        w2s[sl] = jnp.minimum(d2c[sl], m1v)
        w1s[sl] = jnp.minimum(d1c[sl], m2v)
        return 0

    lax.fori_loop(0, _RPW // 16, _w_step, 0)

    for t in range(_NT):
        row0 = base + t * _TR
        pltpu.sync_copy(v1_hbm.at[pl.ds(row0, _TR)], v1t)
        pltpu.sync_copy(v2_hbm.at[pl.ds(row0, _TR)], v2t)

        def _row_step(r, _):
            q = t * _TR + r
            idx = jnp.broadcast_to(q, (16,)).astype(jnp.int32)
            w1r = plsc.load_gather(w1s, [idx])
            w2r = plsc.load_gather(w2s, [idx])
            for j in range(8):
                sl = pl.ds(j * 16, 16)
                outt[r, sl] = v2t[r, sl] * w2r + v1t[r, sl] * w1r
            return 0

        lax.fori_loop(0, _TR, _row_step, 0)
        pltpu.sync_copy(outt, out_hbm.at[pl.ds(row0, _TR)])


def _kernel_sc(u, d1, d2, v1, v2):
    mesh = plsc.VectorSubcoreMesh(core_axis_name="c", subcore_axis_name="s",
                                  num_cores=_NC, num_subcores=_NS)
    f = pl.kernel(
        _sc_body,
        out_type=jax.ShapeDtypeStruct((_B, _D), jnp.float32),
        mesh=mesh,
        compiler_params=pltpu.CompilerParams(needs_layout_passes=False),
        scratch_types=[
            pltpu.VMEM((_B,), jnp.float32),
            pltpu.VMEM((_B,), jnp.float32),
            pltpu.VMEM((_RPW,), jnp.float32),
            pltpu.VMEM((_RPW,), jnp.float32),
            pltpu.VMEM((_RPW,), jnp.float32),
            pltpu.VMEM((_RPW,), jnp.float32),
            pltpu.VMEM((16,), jnp.float32),
            pltpu.VMEM((16,), jnp.float32),
            pltpu.VMEM((_TR, _D), jnp.float32),
            pltpu.VMEM((_TR, _D), jnp.float32),
            pltpu.VMEM((_TR, _D), jnp.float32),
        ],
    )
    return f(u.reshape(_B), d1.reshape(_B), d2.reshape(_B), v1, v2)


def kernel(u, d1, d2, v1, v2):
    return _kernel_sc(u, d1, d2, v1, v2)

# --- scband reference (transcript-rebuilt; emitter-appended) ---
"""Pipeline reference for scband-neural-memory-25632364823053 (READ-ONLY COPY).

The authoritative reference and input builder live on the scoring server;
editing this copy changes nothing except your own understanding.
"""

import jax, jax.numpy as jnp
import numpy as np

B = 16384
D = 128


def setup_inputs(seed: int = 0) -> dict:
    key = jax.random.key(seed)
    k1, k2, k3, k4, k5 = jax.random.split(key, 5)
    u = jax.random.uniform(k1, (B, 1), dtype=jnp.float32)
    d1 = jax.random.uniform(k2, (B, 1), dtype=jnp.float32)
    d2 = jax.random.uniform(k3, (B, 1), dtype=jnp.float32)
    v1 = jax.random.normal(k4, (B, D), dtype=jnp.float32)
    v2 = jax.random.normal(k5, (B, D), dtype=jnp.float32)
    return {"u": u, "d1": d1, "d2": d2, "v1": v1, "v2": v2}


def reference(u, d1, d2, v1, v2):
    # Semantics of NeuralMemory.forward after init():
    #   push(d1, d2, v1, v2): _values=[v1, v2], _S=[d1, d2], _actual = d1 + d2
    #   read(u): iterate _read_indices(); assumed LIFO stack order (top=v2 first, then v1)
    #     NOTE: torch.max(u - strength_used) with a single arg is a GLOBAL scalar max
    #     over the whole tensor; we reproduce that faithfully with jnp.max(...).
    #   pop(u): mutates internal _S state only; does not affect the returned readcontent.
    summary = jnp.zeros((u.shape[0], v1.shape[1]), dtype=v1.dtype)
    strength_used = jnp.zeros((u.shape[0], 1), dtype=u.dtype)
    # i = 1 (top of stack: v2/d2)
    summary = summary + v2 * jnp.minimum(d2, jnp.max(u - strength_used))
    strength_used = strength_used + d2
    # i = 0 (bottom of stack: v1/d1)
    summary = summary + v1 * jnp.minimum(d1, jnp.max(u - strength_used))
    return summary

if __name__ == "__main__":
    import jax
    _d = setup_inputs()
    print(jax.jit(kernel)(*tuple(_d.values())))

</pallas_src>

<mosaic_0001>
#map = affine_map<(d0, d1) -> (0)>
#map1 = affine_map<(d0, d1) -> (0, 0)>
module attributes {stable_mosaic.version = 14 : i64} {
  func.func @_sc_body(%arg0: i32, %arg1: i32, %arg2: memref<16384xf32, #tpu.memory_space<hbm>>, %arg3: memref<16384xf32, #tpu.memory_space<hbm>>, %arg4: memref<16384xf32, #tpu.memory_space<hbm>>, %arg5: memref<16384x128xf32, #tpu.memory_space<hbm>>, %arg6: memref<16384x128xf32, #tpu.memory_space<hbm>>, %arg7: memref<16384x128xf32, #tpu.memory_space<hbm>>, %arg8: memref<16384xf32, #tpu.memory_space<vmem>>, %arg9: memref<16384xf32, #tpu.memory_space<vmem>>, %arg10: memref<512xf32, #tpu.memory_space<vmem>>, %arg11: memref<512xf32, #tpu.memory_space<vmem>>, %arg12: memref<512xf32, #tpu.memory_space<vmem>>, %arg13: memref<512xf32, #tpu.memory_space<vmem>>, %arg14: memref<16xf32, #tpu.memory_space<vmem>>, %arg15: memref<16xf32, #tpu.memory_space<vmem>>, %arg16: memref<128x128xf32, #tpu.memory_space<vmem>>, %arg17: memref<128x128xf32, #tpu.memory_space<vmem>>, %arg18: memref<128x128xf32, #tpu.memory_space<vmem>>) attributes {dimension_semantics = [#tpu.dimension_semantics<core_parallel>, #tpu.dimension_semantics<subcore_parallel>], iteration_bounds = array<i64: 2, 16>, scalar_prefetch = 0 : i64, scratch_operands = 11 : i64, tpu.core_type = #tpu.core_type<sc_vector_subcore>, window_params = [{transform_indices = #map}, {transform_indices = #map}, {transform_indices = #map}, {transform_indices = #map1}, {transform_indices = #map1}, {transform_indices = #map1}]} {
    %mul3A = arith.constant 2 : i32
    %mul3A_0 = arith.muli %arg1, %mul3A : i32
    %add3A = arith.addi %mul3A_0, %arg0 : i32
    %mul3A_1 = arith.constant 512 : i32
    %mul3A_2 = arith.muli %add3A, %mul3A_1 : i32
    "tpu.region"() ({
      %run_scoped3A = tpu.sem_alloc : memref<!tpu.dma_semaphore, #tpu.memory_space<semaphore_mem>>
      tpu.enqueue_dma source(%arg2 : memref<16384xf32, #tpu.memory_space<hbm>>) target(%arg8 : memref<16384xf32, #tpu.memory_space<vmem>>) target_semaphore(%run_scoped3A : memref<!tpu.dma_semaphore, #tpu.memory_space<semaphore_mem>>)
      tpu.wait_dma2 semaphore(%run_scoped3A : memref<!tpu.dma_semaphore, #tpu.memory_space<semaphore_mem>>) src(%arg2 : memref<16384xf32, #tpu.memory_space<hbm>>) dst(%arg8 : memref<16384xf32, #tpu.memory_space<vmem>>)
      tpu.yield
    }) : () -> ()
    "tpu.region"() ({
      %run_scoped3A = tpu.sem_alloc : memref<!tpu.dma_semaphore, #tpu.memory_space<semaphore_mem>>
      tpu.enqueue_dma source(%arg4 : memref<16384xf32, #tpu.memory_space<hbm>>) target(%arg9 : memref<16384xf32, #tpu.memory_space<vmem>>) target_semaphore(%run_scoped3A : memref<!tpu.dma_semaphore, #tpu.memory_space<semaphore_mem>>)
      tpu.wait_dma2 semaphore(%run_scoped3A : memref<!tpu.dma_semaphore, #tpu.memory_space<semaphore_mem>>) src(%arg4 : memref<16384xf32, #tpu.memory_space<hbm>>) dst(%arg9 : memref<16384xf32, #tpu.memory_space<vmem>>)
      tpu.yield
    }) : () -> ()
    "tpu.region"() ({
      %run_scoped3A = tpu.sem_alloc : memref<!tpu.dma_semaphore, #tpu.memory_space<semaphore_mem>>
      %dma_start3A = tpu.memref_slice %arg3[%mul3A_2] : memref<16384xf32, #tpu.memory_space<hbm>> -> memref<512xf32, #tpu.memory_space<hbm>>
      %dma_start3A_149 = tpu.memref_slice %arg3[%mul3A_2] : memref<16384xf32, #tpu.memory_space<hbm>> -> memref<512xf32, #tpu.memory_space<hbm>>
      tpu.enqueue_dma source(%dma_start3A_149 : memref<512xf32, #tpu.memory_space<hbm>>) target(%arg10 : memref<512xf32, #tpu.memory_space<vmem>>) target_semaphore(%run_scoped3A : memref<!tpu.dma_semaphore, #tpu.memory_space<semaphore_mem>>)
      %dma_wait3A = tpu.memref_slice %arg3[%mul3A_2] : memref<16384xf32, #tpu.memory_space<hbm>> -> memref<512xf32, #tpu.memory_space<hbm>>
      %dma_wait3A_150 = tpu.memref_slice %arg3[%mul3A_2] : memref<16384xf32, #tpu.memory_space<hbm>> -> memref<512xf32, #tpu.memory_space<hbm>>
      tpu.wait_dma2 semaphore(%run_scoped3A : memref<!tpu.dma_semaphore, #tpu.memory_space<semaphore_mem>>) src(%dma_wait3A_150 : memref<512xf32, #tpu.memory_space<hbm>>) dst(%arg10 : memref<512xf32, #tpu.memory_space<vmem>>)
      tpu.yield
    }) : () -> ()
    "tpu.region"() ({
      %run_scoped3A = tpu.sem_alloc : memref<!tpu.dma_semaphore, #tpu.memory_space<semaphore_mem>>
      %dma_start3A = tpu.memref_slice %arg4[%mul3A_2] : memref<16384xf32, #tpu.memory_space<hbm>> -> memref<512xf32, #tpu.memory_space<hbm>>
      %dma_start3A_149 = tpu.memref_slice %arg4[%mul3A_2] : memref<16384xf32, #tpu.memory_space<hbm>> -> memref<512xf32, #tpu.memory_space<hbm>>
      tpu.enqueue_dma source(%dma_start3A_149 : memref<512xf32, #tpu.memory_space<hbm>>) target(%arg11 : memref<512xf32, #tpu.memory_space<vmem>>) target_semaphore(%run_scoped3A : memref<!tpu.dma_semaphore, #tpu.memory_space<semaphore_mem>>)
      %dma_wait3A = tpu.memref_slice %arg4[%mul3A_2] : memref<16384xf32, #tpu.memory_space<hbm>> -> memref<512xf32, #tpu.memory_space<hbm>>
      %dma_wait3A_150 = tpu.memref_slice %arg4[%mul3A_2] : memref<16384xf32, #tpu.memory_space<hbm>> -> memref<512xf32, #tpu.memory_space<hbm>>
      tpu.wait_dma2 semaphore(%run_scoped3A : memref<!tpu.dma_semaphore, #tpu.memory_space<semaphore_mem>>) src(%dma_wait3A_150 : memref<512xf32, #tpu.memory_space<hbm>>) dst(%arg11 : memref<512xf32, #tpu.memory_space<vmem>>)
      tpu.yield
    }) : () -> ()
    %broadcast_in_dim3A = arith.constant 0xFF800000 : f32
    %broadcast_in_dim3A_3 = vector.broadcast %broadcast_in_dim3A : f32 to vector<16xf32>
    %scan3A = arith.constant 0 : i32
    %scan3A_4 = arith.constant 1024 : i32
    %scan3A_5 = arith.addi %scan3A, %scan3A_4 : i32
    %scan3A_6 = arith.constant 1 : i32
    %scan3A_7:2 = scf.for %scan3A_149 = %scan3A to %scan3A_5 step %scan3A_6 iter_args(%scan3A_150 = %broadcast_in_dim3A_3, %scan3A_151 = %broadcast_in_dim3A_3) -> (vector<16xf32>, vector<16xf32>)  : i32 {
      %mul3A_152 = arith.constant 16 : i32
      %mul3A_153 = arith.muli %scan3A_149, %mul3A_152 : i32
      %get3A = arith.index_cast %mul3A_153 : i32 to index
      %get3A_154 = tpu.vector_load %arg8[%get3A] {strides = array<i32>} : memref<16384xf32, #tpu.memory_space<vmem>>, vector<16xf32>,
      %max3A_155 = arith.maximumf %scan3A_150, %get3A_154 : vector<16xf32>
      %mul3A_156 = arith.constant 16 : i32
      %mul3A_157 = arith.muli %scan3A_149, %mul3A_156 : i32
      %get3A_158 = arith.index_cast %mul3A_157 : i32 to index
      %get3A_159 = tpu.vector_load %arg9[%get3A_158] {strides = array<i32>} : memref<16384xf32, #tpu.memory_space<vmem>>, vector<16xf32>,
      %sub3A = arith.subf %get3A_154, %get3A_159 : vector<16xf32>
      %max3A_160 = arith.maximumf %scan3A_151, %sub3A : vector<16xf32>
      scf.yield %max3A_155, %max3A_160 : vector<16xf32>, vector<16xf32>
    }
    %scan3A_8 = arith.constant 1024 : i32
    %swap3A = arith.constant 0 : index
    %swap3A_9 = tpu.vector_load %arg14[%swap3A] {strides = array<i32>} : memref<16xf32, #tpu.memory_space<vmem>>, vector<16xf32>,
    tpu.vector_store %arg14[%swap3A], %scan3A_7#0 {strides = array<i32>} : memref<16xf32, #tpu.memory_space<vmem>>, vector<16xf32>,
    %swap3A_10 = arith.constant 0 : index
    %swap3A_11 = tpu.vector_load %arg15[%swap3A_10] {strides = array<i32>} : memref<16xf32, #tpu.memory_space<vmem>>, vector<16xf32>,
    tpu.vector_store %arg15[%swap3A_10], %scan3A_7#1 {strides = array<i32>} : memref<16xf32, #tpu.memory_space<vmem>>, vector<16xf32>,
    %broadcast_in_dim3A_12 = arith.constant 0 : i32
    %broadcast_in_dim3A_13 = vector.broadcast %broadcast_in_dim3A_12 : i32 to vector<16xi32>
    %gather3A = tpu.vector_load_idx %arg14[%broadcast_in_dim3A_13] : memref<16xf32, #tpu.memory_space<vmem>>[vector<16xi32>], vector<16xf32>,
    %broadcast_in_dim3A_14 = arith.constant 0 : i32
    %broadcast_in_dim3A_15 = vector.broadcast %broadcast_in_dim3A_14 : i32 to vector<16xi32>
    %gather3A_16 = tpu.vector_load_idx %arg15[%broadcast_in_dim3A_15] : memref<16xf32, #tpu.memory_space<vmem>>[vector<16xi32>], vector<16xf32>,
    %broadcast_in_dim3A_17 = arith.constant 1 : i32
    %broadcast_in_dim3A_18 = vector.broadcast %broadcast_in_dim3A_17 : i32 to vector<16xi32>
    %gather3A_19 = tpu.vector_load_idx %arg14[%broadcast_in_dim3A_18] : memref<16xf32, #tpu.memory_space<vmem>>[vector<16xi32>], vector<16xf32>,
    %max3A = arith.maximumf %gather3A, %gather3A_19 : vector<16xf32>
    %gather3A_20 = tpu.vector_load_idx %arg15[%broadcast_in_dim3A_18] : memref<16xf32, #tpu.memory_space<vmem>>[vector<16xi32>], vector<16xf32>,
    %max3A_21 = arith.maximumf %gather3A_16, %gather3A_20 : vector<16xf32>
    %broadcast_in_dim3A_22 = arith.constant 2 : i32
    %broadcast_in_dim3A_23 = vector.broadcast %broadcast_in_dim3A_22 : i32 to vector<16xi32>
    %gather3A_24 = tpu.vector_load_idx %arg14[%broadcast_in_dim3A_23] : memref<16xf32, #tpu.memory_space<vmem>>[vector<16xi32>], vector<16xf32>,
    %max3A_25 = arith.maximumf %max3A, %gather3A_24 : vector<16xf32>
    %gather3A_26 = tpu.vector_load_idx %arg15[%broadcast_in_dim3A_23] : memref<16xf32, #tpu.memory_space<vmem>>[vector<16xi32>], vector<16xf32>,
    %max3A_27 = arith.maximumf %max3A_21, %gather3A_26 : vector<16xf32>
    %broadcast_in_dim3A_28 = arith.constant 3 : i32
    %broadcast_in_dim3A_29 = vector.broadcast %broadcast_in_dim3A_28 : i32 to vector<16xi32>
    %gather3A_30 = tpu.vector_load_idx %arg14[%broadcast_in_dim3A_29] : memref<16xf32, #tpu.memory_space<vmem>>[vector<16xi32>], vector<16xf32>,
    %max3A_31 = arith.maximumf %max3A_25, %gather3A_30 : vector<16xf32>
    %gather3A_32 = tpu.vector_load_idx %arg15[%broadcast_in_dim3A_29] : memref<16xf32, #tpu.memory_space<vmem>>[vector<16xi32>], vector<16xf32>,
    %max3A_33 = arith.maximumf %max3A_27, %gather3A_32 : vector<16xf32>
    %broadcast_in_dim3A_34 = arith.constant 4 : i32
    %broadcast_in_dim3A_35 = vector.broadcast %broadcast_in_dim3A_34 : i32 to vector<16xi32>
    %gather3A_36 = tpu.vector_load_idx %arg14[%broadcast_in_dim3A_35] : memref<16xf32, #tpu.memory_space<vmem>>[vector<16xi32>], vector<16xf32>,
    %max3A_37 = arith.maximumf %max3A_31, %gather3A_36 : vector<16xf32>
    %gather3A_38 = tpu.vector_load_idx %arg15[%broadcast_in_dim3A_35] : memref<16xf32, #tpu.memory_space<vmem>>[vector<16xi32>], vector<16xf32>,
    %max3A_39 = arith.maximumf %max3A_33, %gather3A_38 : vector<16xf32>
    %broadcast_in_dim3A_40 = arith.constant 5 : i32
    %broadcast_in_dim3A_41 = vector.broadcast %broadcast_in_dim3A_40 : i32 to vector<16xi32>
    %gather3A_42 = tpu.vector_load_idx %arg14[%broadcast_in_dim3A_41] : memref<16xf32, #tpu.memory_space<vmem>>[vector<16xi32>], vector<16xf32>,
    %max3A_43 = arith.maximumf %max3A_37, %gather3A_42 : vector<16xf32>
    %gather3A_44 = tpu.vector_load_idx %arg15[%broadcast_in_dim3A_41] : memref<16xf32, #tpu.memory_space<vmem>>[vector<16xi32>], vector<16xf32>,
    %max3A_45 = arith.maximumf %max3A_39, %gather3A_44 : vector<16xf32>
    %broadcast_in_dim3A_46 = arith.constant 6 : i32
    %broadcast_in_dim3A_47 = vector.broadcast %broadcast_in_dim3A_46 : i32 to vector<16xi32>
    %gather3A_48 = tpu.vector_load_idx %arg14[%broadcast_in_dim3A_47] : memref<16xf32, #tpu.memory_space<vmem>>[vector<16xi32>], vector<16xf32>,
    %max3A_49 = arith.maximumf %max3A_43, %gather3A_48 : vector<16xf32>
    %gather3A_50 = tpu.vector_load_idx %arg15[%broadcast_in_dim3A_47] : memref<16xf32, #tpu.memory_space<vmem>>[vector<16xi32>], vector<16xf32>,
    %max3A_51 = arith.maximumf %max3A_45, %gather3A_50 : vector<16xf32>
    %broadcast_in_dim3A_52 = arith.constant 7 : i32
    %broadcast_in_dim3A_53 = vector.broadcast %broadcast_in_dim3A_52 : i32 to vector<16xi32>
    %gather3A_54 = tpu.vector_load_idx %arg14[%broadcast_in_dim3A_53] : memref<16xf32, #tpu.memory_space<vmem>>[vector<16xi32>], vector<16xf32>,
    %max3A_55 = arith.maximumf %max3A_49, %gather3A_54 : vector<16xf32>
    %gather3A_56 = tpu.vector_load_idx %arg15[%broadcast_in_dim3A_53] : memref<16xf32, #tpu.memory_space<vmem>>[vector<16xi32>], vector<16xf32>,
    %max3A_57 = arith.maximumf %max3A_51, %gather3A_56 : vector<16xf32>
    %broadcast_in_dim3A_58 = arith.constant 8 : i32
    %broadcast_in_dim3A_59 = vector.broadcast %broadcast_in_dim3A_58 : i32 to vector<16xi32>
    %gather3A_60 = tpu.vector_load_idx %arg14[%broadcast_in_dim3A_59] : memref<16xf32, #tpu.memory_space<vmem>>[vector<16xi32>], vector<16xf32>,
    %max3A_61 = arith.maximumf %max3A_55, %gather3A_60 : vector<16xf32>
    %gather3A_62 = tpu.vector_load_idx %arg15[%broadcast_in_dim3A_59] : memref<16xf32, #tpu.memory_space<vmem>>[vector<16xi32>], vector<16xf32>,
    %max3A_63 = arith.maximumf %max3A_57, %gather3A_62 : vector<16xf32>
    %broadcast_in_dim3A_64 = arith.constant 9 : i32
    %broadcast_in_dim3A_65 = vector.broadcast %broadcast_in_dim3A_64 : i32 to vector<16xi32>
    %gather3A_66 = tpu.vector_load_idx %arg14[%broadcast_in_dim3A_65] : memref<16xf32, #tpu.memory_space<vmem>>[vector<16xi32>], vector<16xf32>,
    %max3A_67 = arith.maximumf %max3A_61, %gather3A_66 : vector<16xf32>
    %gather3A_68 = tpu.vector_load_idx %arg15[%broadcast_in_dim3A_65] : memref<16xf32, #tpu.memory_space<vmem>>[vector<16xi32>], vector<16xf32>,
    %max3A_69 = arith.maximumf %max3A_63, %gather3A_68 : vector<16xf32>
    %broadcast_in_dim3A_70 = arith.constant 10 : i32
    %broadcast_in_dim3A_71 = vector.broadcast %broadcast_in_dim3A_70 : i32 to vector<16xi32>
    %gather3A_72 = tpu.vector_load_idx %arg14[%broadcast_in_dim3A_71] : memref<16xf32, #tpu.memory_space<vmem>>[vector<16xi32>], vector<16xf32>,
    %max3A_73 = arith.maximumf %max3A_67, %gather3A_72 : vector<16xf32>
    %gather3A_74 = tpu.vector_load_idx %arg15[%broadcast_in_dim3A_71] : memref<16xf32, #tpu.memory_space<vmem>>[vector<16xi32>], vector<16xf32>,
    %max3A_75 = arith.maximumf %max3A_69, %gather3A_74 : vector<16xf32>
    %broadcast_in_dim3A_76 = arith.constant 11 : i32
    %broadcast_in_dim3A_77 = vector.broadcast %broadcast_in_dim3A_76 : i32 to vector<16xi32>
    %gather3A_78 = tpu.vector_load_idx %arg14[%broadcast_in_dim3A_77] : memref<16xf32, #tpu.memory_space<vmem>>[vector<16xi32>], vector<16xf32>,
    %max3A_79 = arith.maximumf %max3A_73, %gather3A_78 : vector<16xf32>
    %gather3A_80 = tpu.vector_load_idx %arg15[%broadcast_in_dim3A_77] : memref<16xf32, #tpu.memory_space<vmem>>[vector<16xi32>], vector<16xf32>,
    %max3A_81 = arith.maximumf %max3A_75, %gather3A_80 : vector<16xf32>
    %broadcast_in_dim3A_82 = arith.constant 12 : i32
    %broadcast_in_dim3A_83 = vector.broadcast %broadcast_in_dim3A_82 : i32 to vector<16xi32>
    %gather3A_84 = tpu.vector_load_idx %arg14[%broadcast_in_dim3A_83] : memref<16xf32, #tpu.memory_space<vmem>>[vector<16xi32>], vector<16xf32>,
    %max3A_85 = arith.maximumf %max3A_79, %gather3A_84 : vector<16xf32>
    %gather3A_86 = tpu.vector_load_idx %arg15[%broadcast_in_dim3A_83] : memref<16xf32, #tpu.memory_space<vmem>>[vector<16xi32>], vector<16xf32>,
    %max3A_87 = arith.maximumf %max3A_81, %gather3A_86 : vector<16xf32>
    %broadcast_in_dim3A_88 = arith.constant 13 : i32
    %broadcast_in_dim3A_89 = vector.broadcast %broadcast_in_dim3A_88 : i32 to vector<16xi32>
    %gather3A_90 = tpu.vector_load_idx %arg14[%broadcast_in_dim3A_89] : memref<16xf32, #tpu.memory_space<vmem>>[vector<16xi32>], vector<16xf32>,
    %max3A_91 = arith.maximumf %max3A_85, %gather3A_90 : vector<16xf32>
    %gather3A_92 = tpu.vector_load_idx %arg15[%broadcast_in_dim3A_89] : memref<16xf32, #tpu.memory_space<vmem>>[vector<16xi32>], vector<16xf32>,
    %max3A_93 = arith.maximumf %max3A_87, %gather3A_92 : vector<16xf32>
    %broadcast_in_dim3A_94 = arith.constant 14 : i32
    %broadcast_in_dim3A_95 = vector.broadcast %broadcast_in_dim3A_94 : i32 to vector<16xi32>
    %gather3A_96 = tpu.vector_load_idx %arg14[%broadcast_in_dim3A_95] : memref<16xf32, #tpu.memory_space<vmem>>[vector<16xi32>], vector<16xf32>,
    %max3A_97 = arith.maximumf %max3A_91, %gather3A_96 : vector<16xf32>
    %gather3A_98 = tpu.vector_load_idx %arg15[%broadcast_in_dim3A_95] : memref<16xf32, #tpu.memory_space<vmem>>[vector<16xi32>], vector<16xf32>,
    %max3A_99 = arith.maximumf %max3A_93, %gather3A_98 : vector<16xf32>
    %broadcast_in_dim3A_100 = arith.constant 15 : i32
    %broadcast_in_dim3A_101 = vector.broadcast %broadcast_in_dim3A_100 : i32 to vector<16xi32>
    %gather3A_102 = tpu.vector_load_idx %arg14[%broadcast_in_dim3A_101] : memref<16xf32, #tpu.memory_space<vmem>>[vector<16xi32>], vector<16xf32>,
    %max3A_103 = arith.maximumf %max3A_97, %gather3A_102 : vector<16xf32>
    %gather3A_104 = tpu.vector_load_idx %arg15[%broadcast_in_dim3A_101] : memref<16xf32, #tpu.memory_space<vmem>>[vector<16xi32>], vector<16xf32>,
    %max3A_105 = arith.maximumf %max3A_99, %gather3A_104 : vector<16xf32>
    %scan3A_106 = arith.constant 0 : i32
    %scan3A_107 = arith.constant 0 : i32
    %scan3A_108 = arith.constant 32 : i32
    %scan3A_109 = arith.addi %scan3A_107, %scan3A_108 : i32
    %scan3A_110 = arith.constant 1 : i32
    %scan3A_111 = scf.for %scan3A_149 = %scan3A_107 to %scan3A_109 step %scan3A_110 iter_args(%scan3A_150 = %scan3A_106) -> (i32)  : i32 {
      %mul3A_151 = arith.constant 16 : i32
      %mul3A_152 = arith.muli %scan3A_149, %mul3A_151 : i32
      %get3A = arith.index_cast %mul3A_152 : i32 to index
      %get3A_153 = tpu.vector_load %arg11[%get3A] {strides = array<i32>} : memref<512xf32, #tpu.memory_space<vmem>>, vector<16xf32>,
      %min3A = arith.minimumf %get3A_153, %max3A_103 : vector<16xf32>
      %swap3A_154 = arith.index_cast %mul3A_152 : i32 to index
      %swap3A_155 = tpu.vector_load %arg13[%swap3A_154] {strides = array<i32>} : memref<512xf32, #tpu.memory_space<vmem>>, vector<16xf32>,
      tpu.vector_store %arg13[%swap3A_154], %min3A {strides = array<i32>} : memref<512xf32, #tpu.memory_space<vmem>>, vector<16xf32>,
      %get3A_156 = arith.index_cast %mul3A_152 : i32 to index
      %get3A_157 = tpu.vector_load %arg10[%get3A_156] {strides = array<i32>} : memref<512xf32, #tpu.memory_space<vmem>>, vector<16xf32>,
      %min3A_158 = arith.minimumf %get3A_157, %max3A_105 : vector<16xf32>
      %swap3A_159 = arith.index_cast %mul3A_152 : i32 to index
      %swap3A_160 = tpu.vector_load %arg12[%swap3A_159] {strides = array<i32>} : memref<512xf32, #tpu.memory_space<vmem>>, vector<16xf32>,
      tpu.vector_store %arg12[%swap3A_159], %min3A_158 {strides = array<i32>} : memref<512xf32, #tpu.memory_space<vmem>>, vector<16xf32>,
      %scan3A_161 = arith.constant 0 : i32
      scf.yield %scan3A_161 : i32
    }
    %scan3A_112 = arith.constant 32 : i32
    %add3A_113 = arith.constant 0 : i32
    %add3A_114 = arith.addi %mul3A_2, %add3A_113 : i32
    "tpu.region"() ({
      %run_scoped3A = tpu.sem_alloc : memref<!tpu.dma_semaphore, #tpu.memory_space<semaphore_mem>>
      %dma_start3A = arith.constant 0 : i32
      %dma_start3A_149 = tpu.memref_slice %arg5[%add3A_114, %dma_start3A] : memref<16384x128xf32, #tpu.memory_space<hbm>> -> memref<128x128xf32, #tpu.memory_space<hbm>>
      %dma_start3A_150 = arith.constant 0 : i32
      %dma_start3A_151 = tpu.memref_slice %arg5[%add3A_114, %dma_start3A_150] : memref<16384x128xf32, #tpu.memory_space<hbm>> -> memref<128x128xf32, #tpu.memory_space<hbm>>
      tpu.enqueue_dma source(%dma_start3A_151 : memref<128x128xf32, #tpu.memory_space<hbm>>) target(%arg16 : memref<128x128xf32, #tpu.memory_space<vmem>>) target_semaphore(%run_scoped3A : memref<!tpu.dma_semaphore, #tpu.memory_space<semaphore_mem>>)
      %dma_wait3A = arith.constant 0 : i32
      %dma_wait3A_152 = tpu.memref_slice %arg5[%add3A_114, %dma_wait3A] : memref<16384x128xf32, #tpu.memory_space<hbm>> -> memref<128x128xf32, #tpu.memory_space<hbm>>
      %dma_wait3A_153 = arith.constant 0 : i32
      %dma_wait3A_154 = tpu.memref_slice %arg5[%add3A_114, %dma_wait3A_153] : memref<16384x128xf32, #tpu.memory_space<hbm>> -> memref<128x128xf32, #tpu.memory_space<hbm>>
      tpu.wait_dma2 semaphore(%run_scoped3A : memref<!tpu.dma_semaphore, #tpu.memory_space<semaphore_mem>>) src(%dma_wait3A_154 : memref<128x128xf32, #tpu.memory_space<hbm>>) dst(%arg16 : memref<128x128xf32, #tpu.memory_space<vmem>>)
      tpu.yield
    }) : () -> ()
    "tpu.region"() ({
      %run_scoped3A = tpu.sem_alloc : memref<!tpu.dma_semaphore, #tpu.memory_space<semaphore_mem>>
      %dma_start3A = arith.constant 0 : i32
      %dma_start3A_149 = tpu.memref_slice %arg6[%add3A_114, %dma_start3A] : memref<16384x128xf32, #tpu.memory_space<hbm>> -> memref<128x128xf32, #tpu.memory_space<hbm>>
      %dma_start3A_150 = arith.constant 0 : i32
      %dma_start3A_151 = tpu.memref_slice %arg6[%add3A_114, %dma_start3A_150] : memref<16384x128xf32, #tpu.memory_space<hbm>> -> memref<128x128xf32, #tpu.memory_space<hbm>>
      tpu.enqueue_dma source(%dma_start3A_151 : memref<128x128xf32, #tpu.memory_space<hbm>>) target(%arg17 : memref<128x128xf32, #tpu.memory_space<vmem>>) target_semaphore(%run_scoped3A : memref<!tpu.dma_semaphore, #tpu.memory_space<semaphore_mem>>)
      %dma_wait3A = arith.constant 0 : i32
      %dma_wait3A_152 = tpu.memref_slice %arg6[%add3A_114, %dma_wait3A] : memref<16384x128xf32, #tpu.memory_space<hbm>> -> memref<128x128xf32, #tpu.memory_space<hbm>>
      %dma_wait3A_153 = arith.constant 0 : i32
      %dma_wait3A_154 = tpu.memref_slice %arg6[%add3A_114, %dma_wait3A_153] : memref<16384x128xf32, #tpu.memory_space<hbm>> -> memref<128x128xf32, #tpu.memory_space<hbm>>
      tpu.wait_dma2 semaphore(%run_scoped3A : memref<!tpu.dma_semaphore, #tpu.memory_space<semaphore_mem>>) src(%dma_wait3A_154 : memref<128x128xf32, #tpu.memory_space<hbm>>) dst(%arg17 : memref<128x128xf32, #tpu.memory_space<vmem>>)
      tpu.yield
    }) : () -> ()
    %scan3A_115 = arith.constant 0 : i32
    %scan3A_116 = arith.constant 0 : i32
    %scan3A_117 = arith.constant 128 : i32
    %scan3A_118 = arith.addi %scan3A_116, %scan3A_117 : i32
    %scan3A_119 = arith.constant 1 : i32
    %scan3A_120 = scf.for %scan3A_149 = %scan3A_116 to %scan3A_118 step %scan3A_119 iter_args(%scan3A_150 = %scan3A_115) -> (i32)  : i32 {
      %add3A_151 = arith.constant 0 : i32
      %add3A_152 = arith.addi %add3A_151, %scan3A_149 : i32
      %broadcast_in_dim3A_153 = vector.broadcast %add3A_152 : i32 to vector<16xi32>
      %gather3A_154 = tpu.vector_load_idx %arg12[%broadcast_in_dim3A_153] : memref<512xf32, #tpu.memory_space<vmem>>[vector<16xi32>], vector<16xf32>,
      %gather3A_155 = tpu.vector_load_idx %arg13[%broadcast_in_dim3A_153] : memref<512xf32, #tpu.memory_space<vmem>>[vector<16xi32>], vector<16xf32>,
      %get3A = arith.index_cast %scan3A_149 : i32 to index
      %get3A_156 = arith.constant 0 : index
      %get3A_157 = tpu.vector_load %arg17[%get3A, %get3A_156] {strides = array<i32>} : memref<128x128xf32, #tpu.memory_space<vmem>>, vector<16xf32>,
      %mul3A_158 = arith.mulf %get3A_157, %gather3A_155 : vector<16xf32>
      %get3A_159 = arith.index_cast %scan3A_149 : i32 to index
      %get3A_160 = arith.constant 0 : index
      %get3A_161 = tpu.vector_load %arg16[%get3A_159, %get3A_160] {strides = array<i32>} : memref<128x128xf32, #tpu.memory_space<vmem>>, vector<16xf32>,
      %mul3A_162 = arith.mulf %get3A_161, %gather3A_154 : vector<16xf32>
      %add3A_163 = arith.addf %mul3A_158, %mul3A_162 : vector<16xf32>
      %swap3A_164 = arith.index_cast %scan3A_149 : i32 to index
      %swap3A_165 = arith.constant 0 : index
      %swap3A_166 = tpu.vector_load %arg18[%swap3A_164, %swap3A_165] {strides = array<i32>} : memref<128x128xf32, #tpu.memory_space<vmem>>, vector<16xf32>,
      tpu.vector_store %arg18[%swap3A_164, %swap3A_165], %add3A_163 {strides = array<i32>} : memref<128x128xf32, #tpu.memory_space<vmem>>, vector<16xf32>,
      %get3A_167 = arith.index_cast %scan3A_149 : i32 to index
      %get3A_168 = arith.constant 16 : index
      %get3A_169 = tpu.vector_load %arg17[%get3A_167, %get3A_168] {strides = array<i32>} : memref<128x128xf32, #tpu.memory_space<vmem>>, vector<16xf32>,
      %mul3A_170 = arith.mulf %get3A_169, %gather3A_155 : vector<16xf32>
      %get3A_171 = arith.index_cast %scan3A_149 : i32 to index
      %get3A_172 = arith.constant 16 : index
      %get3A_173 = tpu.vector_load %arg16[%get3A_171, %get3A_172] {strides = array<i32>} : memref<128x128xf32, #tpu.memory_space<vmem>>, vector<16xf32>,
      %mul3A_174 = arith.mulf %get3A_173, %gather3A_154 : vector<16xf32>
      %add3A_175 = arith.addf %mul3A_170, %mul3A_174 : vector<16xf32>
      %swap3A_176 = arith.index_cast %scan3A_149 : i32 to index
      %swap3A_177 = arith.constant 16 : index
      %swap3A_178 = tpu.vector_load %arg18[%swap3A_176, %swap3A_177] {strides = array<i32>} : memref<128x128xf32, #tpu.memory_space<vmem>>, vector<16xf32>,
      tpu.vector_store %arg18[%swap3A_176, %swap3A_177], %add3A_175 {strides = array<i32>} : memref<128x128xf32, #tpu.memory_space<vmem>>, vector<16xf32>,
      %get3A_179 = arith.index_cast %scan3A_149 : i32 to index
      %get3A_180 = arith.constant 32 : index
      %get3A_181 = tpu.vector_load %arg17[%get3A_179, %get3A_180] {strides = array<i32>} : memref<128x128xf32, #tpu.memory_space<vmem>>, vector<16xf32>,
      %mul3A_182 = arith.mulf %get3A_181, %gather3A_155 : vector<16xf32>
      %get3A_183 = arith.index_cast %scan3A_149 : i32 to index
      %get3A_184 = arith.constant 32 : index
      %get3A_185 = tpu.vector_load %arg16[%get3A_183, %get3A_184] {strides = array<i32>} : memref<128x128xf32, #tpu.memory_space<vmem>>, vector<16xf32>,
      %mul3A_186 = arith.mulf %get3A_185, %gather3A_154 : vector<16xf32>
      %add3A_187 = arith.addf %mul3A_182, %mul3A_186 : vector<16xf32>
      %swap3A_188 = arith.index_cast %scan3A_149 : i32 to index
      %swap3A_189 = arith.constant 32 : index
      %swap3A_190 = tpu.vector_load %arg18[%swap3A_188, %swap3A_189] {strides = array<i32>} : memref<128x128xf32, #tpu.memory_space<vmem>>, vector<16xf32>,
      tpu.vector_store %arg18[%swap3A_188, %swap3A_189], %add3A_187 {strides = array<i32>} : memref<128x128xf32, #tpu.memory_space<vmem>>, vector<16xf32>,
      %get3A_191 = arith.index_cast %scan3A_149 : i32 to index
      %get3A_192 = arith.constant 48 : index
      %get3A_193 = tpu.vector_load %arg17[%get3A_191, %get3A_192] {strides = array<i32>} : memref<128x128xf32, #tpu.memory_space<vmem>>, vector<16xf32>,
      %mul3A_194 = arith.mulf %get3A_193, %gather3A_155 : vector<16xf32>
      %get3A_195 = arith.index_cast %scan3A_149 : i32 to index
      %get3A_196 = arith.constant 48 : index
      %get3A_197 = tpu.vector_load %arg16[%get3A_195, %get3A_196] {strides = array<i32>} : memref<128x128xf32, #tpu.memory_space<vmem>>, vector<16xf32>,
      %mul3A_198 = arith.mulf %get3A_197, %gather3A_154 : vector<16xf32>
      %add3A_199 = arith.addf %mul3A_194, %mul3A_198 : vector<16xf32>
      %swap3A_200 = arith.index_cast %scan3A_149 : i32 to index
      %swap3A_201 = arith.constant 48 : index
      %swap3A_202 = tpu.vector_load %arg18[%swap3A_200, %swap3A_201] {strides = array<i32>} : memref<128x128xf32, #tpu.memory_space<vmem>>, vector<16xf32>,
      tpu.vector_store %arg18[%swap3A_200, %swap3A_201], %add3A_199 {strides = array<i32>} : memref<128x128xf32, #tpu.memory_space<vmem>>, vector<16xf32>,
      %get3A_203 = arith.index_cast %scan3A_149 : i32 to index
      %get3A_204 = arith.constant 64 : index
      %get3A_205 = tpu.vector_load %arg17[%get3A_203, %get3A_204] {strides = array<i32>} : memref<128x128xf32, #tpu.memory_space<vmem>>, vector<16xf32>,
      %mul3A_206 = arith.mulf %get3A_205, %gather3A_155 : vector<16xf32>
      %get3A_207 = arith.index_cast %scan3A_149 : i32 to index
      %get3A_208 = arith.constant 64 : index
      %get3A_209 = tpu.vector_load %arg16[%get3A_207, %get3A_208] {strides = array<i32>} : memref<128x128xf32, #tpu.memory_space<vmem>>, vector<16xf32>,
      %mul3A_210 = arith.mulf %get3A_209, %gather3A_154 : vector<16xf32>
      %add3A_211 = arith.addf %mul3A_206, %mul3A_210 : vector<16xf32>
      %swap3A_212 = arith.index_cast %scan3A_149 : i32 to index
      %swap3A_213 = arith.constant 64 : index
      %swap3A_214 = tpu.vector_load %arg18[%swap3A_212, %swap3A_213] {strides = array<i32>} : memref<128x128xf32, #tpu.memory_space<vmem>>, vector<16xf32>,
      tpu.vector_store %arg18[%swap3A_212, %swap3A_213], %add3A_211 {strides = array<i32>} : memref<128x128xf32, #tpu.memory_space<vmem>>, vector<16xf32>,
      %get3A_215 = arith.index_cast %scan3A_149 : i32 to index
      %get3A_216 = arith.constant 80 : index
      %get3A_217 = tpu.vector_load %arg17[%get3A_215, %get3A_216] {strides = array<i32>} : memref<128x128xf32, #tpu.memory_space<vmem>>, vector<16xf32>,
      %mul3A_218 = arith.mulf %get3A_217, %gather3A_155 : vector<16xf32>
      %get3A_219 = arith.index_cast %scan3A_149 : i32 to index
      %get3A_220 = arith.constant 80 : index
      %get3A_221 = tpu.vector_load %arg16[%get3A_219, %get3A_220] {strides = array<i32>} : memref<128x128xf32, #tpu.memory_space<vmem>>, vector<16xf32>,
      %mul3A_222 = arith.mulf %get3A_221, %gather3A_154 : vector<16xf32>
      %add3A_223 = arith.addf %mul3A_218, %mul3A_222 : vector<16xf32>
      %swap3A_224 = arith.index_cast %scan3A_149 : i32 to index
      %swap3A_225 = arith.constant 80 : index
      %swap3A_226 = tpu.vector_load %arg18[%swap3A_224, %swap3A_225] {strides = array<i32>} : memref<128x128xf32, #tpu.memory_space<vmem>>, vector<16xf32>,
      tpu.vector_store %arg18[%swap3A_224, %swap3A_225], %add3A_223 {strides = array<i32>} : memref<128x128xf32, #tpu.memory_space<vmem>>, vector<16xf32>,
      %get3A_227 = arith.index_cast %scan3A_149 : i32 to index
      %get3A_228 = arith.constant 96 : index
      %get3A_229 = tpu.vector_load %arg17[%get3A_227, %get3A_228] {strides = array<i32>} : memref<128x128xf32, #tpu.memory_space<vmem>>, vector<16xf32>,
      %mul3A_230 = arith.mulf %get3A_229, %gather3A_155 : vector<16xf32>
      %get3A_231 = arith.index_cast %scan3A_149 : i32 to index
      %get3A_232 = arith.constant 96 : index
      %get3A_233 = tpu.vector_load %arg16[%get3A_231, %get3A_232] {strides = array<i32>} : memref<128x128xf32, #tpu.memory_space<vmem>>, vector<16xf32>,
      %mul3A_234 = arith.mulf %get3A_233, %gather3A_154 : vector<16xf32>
      %add3A_235 = arith.addf %mul3A_230, %mul3A_234 : vector<16xf32>
      %swap3A_236 = arith.index_cast %scan3A_149 : i32 to index
      %swap3A_237 = arith.constant 96 : index
      %swap3A_238 = tpu.vector_load %arg18[%swap3A_236, %swap3A_237] {strides = array<i32>} : memref<128x128xf32, #tpu.memory_space<vmem>>, vector<16xf32>,
      tpu.vector_store %arg18[%swap3A_236, %swap3A_237], %add3A_235 {strides = array<i32>} : memref<128x128xf32, #tpu.memory_space<vmem>>, vector<16xf32>,
      %get3A_239 = arith.index_cast %scan3A_149 : i32 to index
      %get3A_240 = arith.constant 112 : index
      %get3A_241 = tpu.vector_load %arg17[%get3A_239, %get3A_240] {strides = array<i32>} : memref<128x128xf32, #tpu.memory_space<vmem>>, vector<16xf32>,
      %mul3A_242 = arith.mulf %get3A_241, %gather3A_155 : vector<16xf32>
      %get3A_243 = arith.index_cast %scan3A_149 : i32 to index
      %get3A_244 = arith.constant 112 : index
      %get3A_245 = tpu.vector_load %arg16[%get3A_243, %get3A_244] {strides = array<i32>} : memref<128x128xf32, #tpu.memory_space<vmem>>, vector<16xf32>,
      %mul3A_246 = arith.mulf %get3A_245, %gather3A_154 : vector<16xf32>
      %add3A_247 = arith.addf %mul3A_242, %mul3A_246 : vector<16xf32>
      %swap3A_248 = arith.index_cast %scan3A_149 : i32 to index
      %swap3A_249 = arith.constant 112 : index
      %swap3A_250 = tpu.vector_load %arg18[%swap3A_248, %swap3A_249] {strides = array<i32>} : memref<128x128xf32, #tpu.memory_space<vmem>>, vector<16xf32>,
      tpu.vector_store %arg18[%swap3A_248, %swap3A_249], %add3A_247 {strides = array<i32>} : memref<128x128xf32, #tpu.memory_space<vmem>>, vector<16xf32>,
      %scan3A_251 = arith.constant 0 : i32
      scf.yield %scan3A_251 : i32
    }
    %scan3A_121 = arith.constant 128 : i32
    "tpu.region"() ({
      %run_scoped3A = tpu.sem_alloc : memref<!tpu.dma_semaphore, #tpu.memory_space<semaphore_mem>>
      %dma_start3A = arith.constant 0 : i32
      %dma_start3A_149 = tpu.memref_slice %arg7[%add3A_114, %dma_start3A] : memref<16384x128xf32, #tpu.memory_space<hbm>> -> memref<128x128xf32, #tpu.memory_space<hbm>>
      %dma_start3A_150 = arith.constant 0 : i32
      %dma_start3A_151 = tpu.memref_slice %arg7[%add3A_114, %dma_start3A_150] : memref<16384x128xf32, #tpu.memory_space<hbm>> -> memref<128x128xf32, #tpu.memory_space<hbm>>
      tpu.enqueue_dma source(%arg18 : memref<128x128xf32, #tpu.memory_space<vmem>>) target(%dma_start3A_151 : memref<128x128xf32, #tpu.memory_space<hbm>>) target_semaphore(%run_scoped3A : memref<!tpu.dma_semaphore, #tpu.memory_space<semaphore_mem>>)
      %dma_wait3A = arith.constant 0 : i32
      %dma_wait3A_152 = tpu.memref_slice %arg7[%add3A_114, %dma_wait3A] : memref<16384x128xf32, #tpu.memory_space<hbm>> -> memref<128x128xf32, #tpu.memory_space<hbm>>
      %dma_wait3A_153 = arith.constant 0 : i32
      %dma_wait3A_154 = tpu.memref_slice %arg7[%add3A_114, %dma_wait3A_153] : memref<16384x128xf32, #tpu.memory_space<hbm>> -> memref<128x128xf32, #tpu.memory_space<hbm>>
      tpu.wait_dma2 semaphore(%run_scoped3A : memref<!tpu.dma_semaphore, #tpu.memory_space<semaphore_mem>>) src(%arg18 : memref<128x128xf32, #tpu.memory_space<vmem>>) dst(%dma_wait3A_154 : memref<128x128xf32, #tpu.memory_space<hbm>>)
      tpu.yield
    }) : () -> ()
    %add3A_122 = arith.constant 128 : i32
    %add3A_123 = arith.addi %mul3A_2, %add3A_122 : i32
    "tpu.region"() ({
      %run_scoped3A = tpu.sem_alloc : memref<!tpu.dma_semaphore, #tpu.memory_space<semaphore_mem>>
      %dma_start3A = arith.constant 0 : i32
      %dma_start3A_149 = tpu.memref_slice %arg5[%add3A_123, %dma_start3A] : memref<16384x128xf32, #tpu.memory_space<hbm>> -> memref<128x128xf32, #tpu.memory_space<hbm>>
      %dma_start3A_150 = arith.constant 0 : i32
      %dma_start3A_151 = tpu.memref_slice %arg5[%add3A_123, %dma_start3A_150] : memref<16384x128xf32, #tpu.memory_space<hbm>> -> memref<128x128xf32, #tpu.memory_space<hbm>>
      tpu.enqueue_dma source(%dma_start3A_151 : memref<128x128xf32, #tpu.memory_space<hbm>>) target(%arg16 : memref<128x128xf32, #tpu.memory_space<vmem>>) target_semaphore(%run_scoped3A : memref<!tpu.dma_semaphore, #tpu.memory_space<semaphore_mem>>)
      %dma_wait3A = arith.constant 0 : i32
      %dma_wait3A_152 = tpu.memref_slice %arg5[%add3A_123, %dma_wait3A] : memref<16384x128xf32, #tpu.memory_space<hbm>> -> memref<128x128xf32, #tpu.memory_space<hbm>>
      %dma_wait3A_153 = arith.constant 0 : i32
      %dma_wait3A_154 = tpu.memref_slice %arg5[%add3A_123, %dma_wait3A_153] : memref<16384x128xf32, #tpu.memory_space<hbm>> -> memref<128x128xf32, #tpu.memory_space<hbm>>
      tpu.wait_dma2 semaphore(%run_scoped3A : memref<!tpu.dma_semaphore, #tpu.memory_space<semaphore_mem>>) src(%dma_wait3A_154 : memref<128x128xf32, #tpu.memory_space<hbm>>) dst(%arg16 : memref<128x128xf32, #tpu.memory_space<vmem>>)
      tpu.yield
    }) : () -> ()
    "tpu.region"() ({
      %run_scoped3A = tpu.sem_alloc : memref<!tpu.dma_semaphore, #tpu.memory_space<semaphore_mem>>
      %dma_start3A = arith.constant 0 : i32
      %dma_start3A_149 = tpu.memref_slice %arg6[%add3A_123, %dma_start3A] : memref<16384x128xf32, #tpu.memory_space<hbm>> -> memref<128x128xf32, #tpu.memory_space<hbm>>
      %dma_start3A_150 = arith.constant 0 : i32
      %dma_start3A_151 = tpu.memref_slice %arg6[%add3A_123, %dma_start3A_150] : memref<16384x128xf32, #tpu.memory_space<hbm>> -> memref<128x128xf32, #tpu.memory_space<hbm>>
      tpu.enqueue_dma source(%dma_start3A_151 : memref<128x128xf32, #tpu.memory_space<hbm>>) target(%arg17 : memref<128x128xf32, #tpu.memory_space<vmem>>) target_semaphore(%run_scoped3A : memref<!tpu.dma_semaphore, #tpu.memory_space<semaphore_mem>>)
      %dma_wait3A = arith.constant 0 : i32
      %dma_wait3A_152 = tpu.memref_slice %arg6[%add3A_123, %dma_wait3A] : memref<16384x128xf32, #tpu.memory_space<hbm>> -> memref<128x128xf32, #tpu.memory_space<hbm>>
      %dma_wait3A_153 = arith.constant 0 : i32
      %dma_wait3A_154 = tpu.memref_slice %arg6[%add3A_123, %dma_wait3A_153] : memref<16384x128xf32, #tpu.memory_space<hbm>> -> memref<128x128xf32, #tpu.memory_space<hbm>>
      tpu.wait_dma2 semaphore(%run_scoped3A : memref<!tpu.dma_semaphore, #tpu.memory_space<semaphore_mem>>) src(%dma_wait3A_154 : memref<128x128xf32, #tpu.memory_space<hbm>>) dst(%arg17 : memref<128x128xf32, #tpu.memory_space<vmem>>)
      tpu.yield
    }) : () -> ()
    %scan3A_124 = arith.constant 0 : i32
    %scan3A_125 = arith.constant 0 : i32
    %scan3A_126 = arith.constant 128 : i32
    %scan3A_127 = arith.addi %scan3A_125, %scan3A_126 : i32
    %scan3A_128 = arith.constant 1 : i32
    %scan3A_129 = scf.for %scan3A_149 = %scan3A_125 to %scan3A_127 step %scan3A_128 iter_args(%scan3A_150 = %scan3A_124) -> (i32)  : i32 {
      %add3A_151 = arith.constant 128 : i32
      %add3A_152 = arith.addi %add3A_151, %scan3A_149 : i32
      %broadcast_in_dim3A_153 = vector.broadcast %add3A_152 : i32 to vector<16xi32>
      %gather3A_154 = tpu.vector_load_idx %arg12[%broadcast_in_dim3A_153] : memref<512xf32, #tpu.memory_space<vmem>>[vector<16xi32>], vector<16xf32>,
      %gather3A_155 = tpu.vector_load_idx %arg13[%broadcast_in_dim3A_153] : memref<512xf32, #tpu.memory_space<vmem>>[vector<16xi32>], vector<16xf32>,
      %get3A = arith.index_cast %scan3A_149 : i32 to index
      %get3A_156 = arith.constant 0 : index
      %get3A_157 = tpu.vector_load %arg17[%get3A, %get3A_156] {strides = array<i32>} : memref<128x128xf32, #tpu.memory_space<vmem>>, vector<16xf32>,
      %mul3A_158 = arith.mulf %get3A_157, %gather3A_155 : vector<16xf32>
      %get3A_159 = arith.index_cast %scan3A_149 : i32 to index
      %get3A_160 = arith.constant 0 : index
      %get3A_161 = tpu.vector_load %arg16[%get3A_159, %get3A_160] {strides = array<i32>} : memref<128x128xf32, #tpu.memory_space<vmem>>, vector<16xf32>,
      %mul3A_162 = arith.mulf %get3A_161, %gather3A_154 : vector<16xf32>
      %add3A_163 = arith.addf %mul3A_158, %mul3A_162 : vector<16xf32>
      %swap3A_164 = arith.index_cast %scan3A_149 : i32 to index
      %swap3A_165 = arith.constant 0 : index
      %swap3A_166 = tpu.vector_load %arg18[%swap3A_164, %swap3A_165] {strides = array<i32>} : memref<128x128xf32, #tpu.memory_space<vmem>>, vector<16xf32>,
      tpu.vector_store %arg18[%swap3A_164, %swap3A_165], %add3A_163 {strides = array<i32>} : memref<128x128xf32, #tpu.memory_space<vmem>>, vector<16xf32>,
      %get3A_167 = arith.index_cast %scan3A_149 : i32 to index
      %get3A_168 = arith.constant 16 : index
      %get3A_169 = tpu.vector_load %arg17[%get3A_167, %get3A_168] {strides = array<i32>} : memref<128x128xf32, #tpu.memory_space<vmem>>, vector<16xf32>,
      %mul3A_170 = arith.mulf %get3A_169, %gather3A_155 : vector<16xf32>
      %get3A_171 = arith.index_cast %scan3A_149 : i32 to index
      %get3A_172 = arith.constant 16 : index
      %get3A_173 = tpu.vector_load %arg16[%get3A_171, %get3A_172] {strides = array<i32>} : memref<128x128xf32, #tpu.memory_space<vmem>>, vector<16xf32>,
      %mul3A_174 = arith.mulf %get3A_173, %gather3A_154 : vector<16xf32>
      %add3A_175 = arith.addf %mul3A_170, %mul3A_174 : vector<16xf32>
      %swap3A_176 = arith.index_cast %scan3A_149 : i32 to index
      %swap3A_177 = arith.constant 16 : index
      %swap3A_178 = tpu.vector_load %arg18[%swap3A_176, %swap3A_177] {strides = array<i32>} : memref<128x128xf32, #tpu.memory_space<vmem>>, vector<16xf32>,
      tpu.vector_store %arg18[%swap3A_176, %swap3A_177], %add3A_175 {strides = array<i32>} : memref<128x128xf32, #tpu.memory_space<vmem>>, vector<16xf32>,
      %get3A_179 = arith.index_cast %scan3A_149 : i32 to index
      %get3A_180 = arith.constant 32 : index
      %get3A_181 = tpu.vector_load %arg17[%get3A_179, %get3A_180] {strides = array<i32>} : memref<128x128xf32, #tpu.memory_space<vmem>>, vector<16xf32>,
      %mul3A_182 = arith.mulf %get3A_181, %gather3A_155 : vector<16xf32>
      %get3A_183 = arith.index_cast %scan3A_149 : i32 to index
      %get3A_184 = arith.constant 32 : index
      %get3A_185 = tpu.vector_load %arg16[%get3A_183, %get3A_184] {strides = array<i32>} : memref<128x128xf32, #tpu.memory_space<vmem>>, vector<16xf32>,
      %mul3A_186 = arith.mulf %get3A_185, %gather3A_154 : vector<16xf32>
      %add3A_187 = arith.addf %mul3A_182, %mul3A_186 : vector<16xf32>
      %swap3A_188 = arith.index_cast %scan3A_149 : i32 to index
      %swap3A_189 = arith.constant 32 : index
      %swap3A_190 = tpu.vector_load %arg18[%swap3A_188, %swap3A_189] {strides = array<i32>} : memref<128x128xf32, #tpu.memory_space<vmem>>, vector<16xf32>,
      tpu.vector_store %arg18[%swap3A_188, %swap3A_189], %add3A_187 {strides = array<i32>} : memref<128x128xf32, #tpu.memory_space<vmem>>, vector<16xf32>,
      %get3A_191 = arith.index_cast %scan3A_149 : i32 to index
      %get3A_192 = arith.constant 48 : index
      %get3A_193 = tpu.vector_load %arg17[%get3A_191, %get3A_192] {strides = array<i32>} : memref<128x128xf32, #tpu.memory_space<vmem>>, vector<16xf32>,
      %mul3A_194 = arith.mulf %get3A_193, %gather3A_155 : vector<16xf32>
      %get3A_195 = arith.index_cast %scan3A_149 : i32 to index
      %get3A_196 = arith.constant 48 : index
      %get3A_197 = tpu.vector_load %arg16[%get3A_195, %get3A_196] {strides = array<i32>} : memref<128x128xf32, #tpu.memory_space<vmem>>, vector<16xf32>,
      %mul3A_198 = arith.mulf %get3A_197, %gather3A_154 : vector<16xf32>
      %add3A_199 = arith.addf %mul3A_194, %mul3A_198 : vector<16xf32>
      %swap3A_200 = arith.index_cast %scan3A_149 : i32 to index
      %swap3A_201 = arith.constant 48 : index
      %swap3A_202 = tpu.vector_load %arg18[%swap3A_200, %swap3A_201] {strides = array<i32>} : memref<128x128xf32, #tpu.memory_space<vmem>>, vector<16xf32>,
      tpu.vector_store %arg18[%swap3A_200, %swap3A_201], %add3A_199 {strides = array<i32>} : memref<128x128xf32, #tpu.memory_space<vmem>>, vector<16xf32>,
      %get3A_203 = arith.index_cast %scan3A_149 : i32 to index
      %get3A_204 = arith.constant 64 : index
      %get3A_205 = tpu.vector_load %arg17[%get3A_203, %get3A_204] {strides = array<i32>} : memref<128x128xf32, #tpu.memory_space<vmem>>, vector<16xf32>,
      %mul3A_206 = arith.mulf %get3A_205, %gather3A_155 : vector<16xf32>
      %get3A_207 = arith.index_cast %scan3A_149 : i32 to index
      %get3A_208 = arith.constant 64 : index
      %get3A_209 = tpu.vector_load %arg16[%get3A_207, %get3A_208] {strides = array<i32>} : memref<128x128xf32, #tpu.memory_space<vmem>>, vector<16xf32>,
      %mul3A_210 = arith.mulf %get3A_209, %gather3A_154 : vector<16xf32>
      %add3A_211 = arith.addf %mul3A_206, %mul3A_210 : vector<16xf32>
      %swap3A_212 = arith.index_cast %scan3A_149 : i32 to index
      %swap3A_213 = arith.constant 64 : index
      %swap3A_214 = tpu.vector_load %arg18[%swap3A_212, %swap3A_213] {strides = array<i32>} : memref<128x128xf32, #tpu.memory_space<vmem>>, vector<16xf32>,
      tpu.vector_store %arg18[%swap3A_212, %swap3A_213], %add3A_211 {strides = array<i32>} : memref<128x128xf32, #tpu.memory_space<vmem>>, vector<16xf32>,
      %get3A_215 = arith.index_cast %scan3A_149 : i32 to index
      %get3A_216 = arith.constant 80 : index
      %get3A_217 = tpu.vector_load %arg17[%get3A_215, %get3A_216] {strides = array<i32>} : memref<128x128xf32, #tpu.memory_space<vmem>>, vector<16xf32>,
      %mul3A_218 = arith.mulf %get3A_217, %gather3A_155 : vector<16xf32>
      %get3A_219 = arith.index_cast %scan3A_149 : i32 to index
      %get3A_220 = arith.constant 80 : index
      %get3A_221 = tpu.vector_load %arg16[%get3A_219, %get3A_220] {strides = array<i32>} : memref<128x128xf32, #tpu.memory_space<vmem>>, vector<16xf32>,
      %mul3A_222 = arith.mulf %get3A_221, %gather3A_154 : vector<16xf32>
      %add3A_223 = arith.addf %mul3A_218, %mul3A_222 : vector<16xf32>
      %swap3A_224 = arith.index_cast %scan3A_149 : i32 to index
      %swap3A_225 = arith.constant 80 : index
      %swap3A_226 = tpu.vector_load %arg18[%swap3A_224, %swap3A_225] {strides = array<i32>} : memref<128x128xf32, #tpu.memory_space<vmem>>, vector<16xf32>,
      tpu.vector_store %arg18[%swap3A_224, %swap3A_225], %add3A_223 {strides = array<i32>} : memref<128x128xf32, #tpu.memory_space<vmem>>, vector<16xf32>,
      %get3A_227 = arith.index_cast %scan3A_149 : i32 to index
      %get3A_228 = arith.constant 96 : index
      %get3A_229 = tpu.vector_load %arg17[%get3A_227, %get3A_228] {strides = array<i32>} : memref<128x128xf32, #tpu.memory_space<vmem>>, vector<16xf32>,
      %mul3A_230 = arith.mulf %get3A_229, %gather3A_155 : vector<16xf32>
      %get3A_231 = arith.index_cast %scan3A_149 : i32 to index
      %get3A_232 = arith.constant 96 : index
      %get3A_233 = tpu.vector_load %arg16[%get3A_231, %get3A_232] {strides = array<i32>} : memref<128x128xf32, #tpu.memory_space<vmem>>, vector<16xf32>,
      %mul3A_234 = arith.mulf %get3A_233, %gather3A_154 : vector<16xf32>
      %add3A_235 = arith.addf %mul3A_230, %mul3A_234 : vector<16xf32>
      %swap3A_236 = arith.index_cast %scan3A_149 : i32 to index
      %swap3A_237 = arith.constant 96 : index
      %swap3A_238 = tpu.vector_load %arg18[%swap3A_236, %swap3A_237] {strides = array<i32>} : memref<128x128xf32, #tpu.memory_space<vmem>>, vector<16xf32>,
      tpu.vector_store %arg18[%swap3A_236, %swap3A_237], %add3A_235 {strides = array<i32>} : memref<128x128xf32, #tpu.memory_space<vmem>>, vector<16xf32>,
      %get3A_239 = arith.index_cast %scan3A_149 : i32 to index
      %get3A_240 = arith.constant 112 : index
      %get3A_241 = tpu.vector_load %arg17[%get3A_239, %get3A_240] {strides = array<i32>} : memref<128x128xf32, #tpu.memory_space<vmem>>, vector<16xf32>,
      %mul3A_242 = arith.mulf %get3A_241, %gather3A_155 : vector<16xf32>
      %get3A_243 = arith.index_cast %scan3A_149 : i32 to index
      %get3A_244 = arith.constant 112 : index
      %get3A_245 = tpu.vector_load %arg16[%get3A_243, %get3A_244] {strides = array<i32>} : memref<128x128xf32, #tpu.memory_space<vmem>>, vector<16xf32>,
      %mul3A_246 = arith.mulf %get3A_245, %gather3A_154 : vector<16xf32>
      %add3A_247 = arith.addf %mul3A_242, %mul3A_246 : vector<16xf32>
      %swap3A_248 = arith.index_cast %scan3A_149 : i32 to index
      %swap3A_249 = arith.constant 112 : index
      %swap3A_250 = tpu.vector_load %arg18[%swap3A_248, %swap3A_249] {strides = array<i32>} : memref<128x128xf32, #tpu.memory_space<vmem>>, vector<16xf32>,
      tpu.vector_store %arg18[%swap3A_248, %swap3A_249], %add3A_247 {strides = array<i32>} : memref<128x128xf32, #tpu.memory_space<vmem>>, vector<16xf32>,
      %scan3A_251 = arith.constant 0 : i32
      scf.yield %scan3A_251 : i32
    }
    %scan3A_130 = arith.constant 128 : i32
    "tpu.region"() ({
      %run_scoped3A = tpu.sem_alloc : memref<!tpu.dma_semaphore, #tpu.memory_space<semaphore_mem>>
      %dma_start3A = arith.constant 0 : i32
      %dma_start3A_149 = tpu.memref_slice %arg7[%add3A_123, %dma_start3A] : memref<16384x128xf32, #tpu.memory_space<hbm>> -> memref<128x128xf32, #tpu.memory_space<hbm>>
      %dma_start3A_150 = arith.constant 0 : i32
      %dma_start3A_151 = tpu.memref_slice %arg7[%add3A_123, %dma_start3A_150] : memref<16384x128xf32, #tpu.memory_space<hbm>> -> memref<128x128xf32, #tpu.memory_space<hbm>>
      tpu.enqueue_dma source(%arg18 : memref<128x128xf32, #tpu.memory_space<vmem>>) target(%dma_start3A_151 : memref<128x128xf32, #tpu.memory_space<hbm>>) target_semaphore(%run_scoped3A : memref<!tpu.dma_semaphore, #tpu.memory_space<semaphore_mem>>)
      %dma_wait3A = arith.constant 0 : i32
      %dma_wait3A_152 = tpu.memref_slice %arg7[%add3A_123, %dma_wait3A] : memref<16384x128xf32, #tpu.memory_space<hbm>> -> memref<128x128xf32, #tpu.memory_space<hbm>>
      %dma_wait3A_153 = arith.constant 0 : i32
      %dma_wait3A_154 = tpu.memref_slice %arg7[%add3A_123, %dma_wait3A_153] : memref<16384x128xf32, #tpu.memory_space<hbm>> -> memref<128x128xf32, #tpu.memory_space<hbm>>
      tpu.wait_dma2 semaphore(%run_scoped3A : memref<!tpu.dma_semaphore, #tpu.memory_space<semaphore_mem>>) src(%arg18 : memref<128x128xf32, #tpu.memory_space<vmem>>) dst(%dma_wait3A_154 : memref<128x128xf32, #tpu.memory_space<hbm>>)
      tpu.yield
    }) : () -> ()
    %add3A_131 = arith.constant 256 : i32
    %add3A_132 = arith.addi %mul3A_2, %add3A_131 : i32
    "tpu.region"() ({
      %run_scoped3A = tpu.sem_alloc : memref<!tpu.dma_semaphore, #tpu.memory_space<semaphore_mem>>
      %dma_start3A = arith.constant 0 : i32
      %dma_start3A_149 = tpu.memref_slice %arg5[%add3A_132, %dma_start3A] : memref<16384x128xf32, #tpu.memory_space<hbm>> -> memref<128x128xf32, #tpu.memory_space<hbm>>
      %dma_start3A_150 = arith.constant 0 : i32
      %dma_start3A_151 = tpu.memref_slice %arg5[%add3A_132, %dma_start3A_150] : memref<16384x128xf32, #tpu.memory_space<hbm>> -> memref<128x128xf32, #tpu.memory_space<hbm>>
      tpu.enqueue_dma source(%dma_start3A_151 : memref<128x128xf32, #tpu.memory_space<hbm>>) target(%arg16 : memref<128x128xf32, #tpu.memory_space<vmem>>) target_semaphore(%run_scoped3A : memref<!tpu.dma_semaphore, #tpu.memory_space<semaphore_mem>>)
      %dma_wait3A = arith.constant 0 : i32
      %dma_wait3A_152 = tpu.memref_slice %arg5[%add3A_132, %dma_wait3A] : memref<16384x128xf32, #tpu.memory_space<hbm>> -> memref<128x128xf32, #tpu.memory_space<hbm>>
      %dma_wait3A_153 = arith.constant 0 : i32
      %dma_wait3A_154 = tpu.memref_slice %arg5[%add3A_132, %dma_wait3A_153] : memref<16384x128xf32, #tpu.memory_space<hbm>> -> memref<128x128xf32, #tpu.memory_space<hbm>>
      tpu.wait_dma2 semaphore(%run_scoped3A : memref<!tpu.dma_semaphore, #tpu.memory_space<semaphore_mem>>) src(%dma_wait3A_154 : memref<128x128xf32, #tpu.memory_space<hbm>>) dst(%arg16 : memref<128x128xf32, #tpu.memory_space<vmem>>)
      tpu.yield
    }) : () -> ()
    "tpu.region"() ({
      %run_scoped3A = tpu.sem_alloc : memref<!tpu.dma_semaphore, #tpu.memory_space<semaphore_mem>>
      %dma_start3A = arith.constant 0 : i32
      %dma_start3A_149 = tpu.memref_slice %arg6[%add3A_132, %dma_start3A] : memref<16384x128xf32, #tpu.memory_space<hbm>> -> memref<128x128xf32, #tpu.memory_space<hbm>>
      %dma_start3A_150 = arith.constant 0 : i32
      %dma_start3A_151 = tpu.memref_slice %arg6[%add3A_132, %dma_start3A_150] : memref<16384x128xf32, #tpu.memory_space<hbm>> -> memref<128x128xf32, #tpu.memory_space<hbm>>
      tpu.enqueue_dma source(%dma_start3A_151 : memref<128x128xf32, #tpu.memory_space<hbm>>) target(%arg17 : memref<128x128xf32, #tpu.memory_space<vmem>>) target_semaphore(%run_scoped3A : memref<!tpu.dma_semaphore, #tpu.memory_space<semaphore_mem>>)
      %dma_wait3A = arith.constant 0 : i32
      %dma_wait3A_152 = tpu.memref_slice %arg6[%add3A_132, %dma_wait3A] : memref<16384x128xf32, #tpu.memory_space<hbm>> -> memref<128x128xf32, #tpu.memory_space<hbm>>
      %dma_wait3A_153 = arith.constant 0 : i32
      %dma_wait3A_154 = tpu.memref_slice %arg6[%add3A_132, %dma_wait3A_153] : memref<16384x128xf32, #tpu.memory_space<hbm>> -> memref<128x128xf32, #tpu.memory_space<hbm>>
      tpu.wait_dma2 semaphore(%run_scoped3A : memref<!tpu.dma_semaphore, #tpu.memory_space<semaphore_mem>>) src(%dma_wait3A_154 : memref<128x128xf32, #tpu.memory_space<hbm>>) dst(%arg17 : memref<128x128xf32, #tpu.memory_space<vmem>>)
      tpu.yield
    }) : () -> ()
    %scan3A_133 = arith.constant 0 : i32
    %scan3A_134 = arith.constant 0 : i32
    %scan3A_135 = arith.constant 128 : i32
    %scan3A_136 = arith.addi %scan3A_134, %scan3A_135 : i32
    %scan3A_137 = arith.constant 1 : i32
    %scan3A_138 = scf.for %scan3A_149 = %scan3A_134 to %scan3A_136 step %scan3A_137 iter_args(%scan3A_150 = %scan3A_133) -> (i32)  : i32 {
      %add3A_151 = arith.constant 256 : i32
      %add3A_152 = arith.addi %add3A_151, %scan3A_149 : i32
      %broadcast_in_dim3A_153 = vector.broadcast %add3A_152 : i32 to vector<16xi32>
      %gather3A_154 = tpu.vector_load_idx %arg12[%broadcast_in_dim3A_153] : memref<512xf32, #tpu.memory_space<vmem>>[vector<16xi32>], vector<16xf32>,
      %gather3A_155 = tpu.vector_load_idx %arg13[%broadcast_in_dim3A_153] : memref<512xf32, #tpu.memory_space<vmem>>[vector<16xi32>], vector<16xf32>,
      %get3A = arith.index_cast %scan3A_149 : i32 to index
      %get3A_156 = arith.constant 0 : index
      %get3A_157 = tpu.vector_load %arg17[%get3A, %get3A_156] {strides = array<i32>} : memref<128x128xf32, #tpu.memory_space<vmem>>, vector<16xf32>,
      %mul3A_158 = arith.mulf %get3A_157, %gather3A_155 : vector<16xf32>
      %get3A_159 = arith.index_cast %scan3A_149 : i32 to index
      %get3A_160 = arith.constant 0 : index
      %get3A_161 = tpu.vector_load %arg16[%get3A_159, %get3A_160] {strides = array<i32>} : memref<128x128xf32, #tpu.memory_space<vmem>>, vector<16xf32>,
      %mul3A_162 = arith.mulf %get3A_161, %gather3A_154 : vector<16xf32>
      %add3A_163 = arith.addf %mul3A_158, %mul3A_162 : vector<16xf32>
      %swap3A_164 = arith.index_cast %scan3A_149 : i32 to index
      %swap3A_165 = arith.constant 0 : index
      %swap3A_166 = tpu.vector_load %arg18[%swap3A_164, %swap3A_165] {strides = array<i32>} : memref<128x128xf32, #tpu.memory_space<vmem>>, vector<16xf32>,
      tpu.vector_store %arg18[%swap3A_164, %swap3A_165], %add3A_163 {strides = array<i32>} : memref<128x128xf32, #tpu.memory_space<vmem>>, vector<16xf32>,
      %get3A_167 = arith.index_cast %scan3A_149 : i32 to index
      %get3A_168 = arith.constant 16 : index
      %get3A_169 = tpu.vector_load %arg17[%get3A_167, %get3A_168] {strides = array<i32>} : memref<128x128xf32, #tpu.memory_space<vmem>>, vector<16xf32>,
      %mul3A_170 = arith.mulf %get3A_169, %gather3A_155 : vector<16xf32>
      %get3A_171 = arith.index_cast %scan3A_149 : i32 to index
      %get3A_172 = arith.constant 16 : index
      %get3A_173 = tpu.vector_load %arg16[%get3A_171, %get3A_172] {strides = array<i32>} : memref<128x128xf32, #tpu.memory_space<vmem>>, vector<16xf32>,
      %mul3A_174 = arith.mulf %get3A_173, %gather3A_154 : vector<16xf32>
      %add3A_175 = arith.addf %mul3A_170, %mul3A_174 : vector<16xf32>
      %swap3A_176 = arith.index_cast %scan3A_149 : i32 to index
      %swap3A_177 = arith.constant 16 : index
      %swap3A_178 = tpu.vector_load %arg18[%swap3A_176, %swap3A_177] {strides = array<i32>} : memref<128x128xf32, #tpu.memory_space<vmem>>, vector<16xf32>,
      tpu.vector_store %arg18[%swap3A_176, %swap3A_177], %add3A_175 {strides = array<i32>} : memref<128x128xf32, #tpu.memory_space<vmem>>, vector<16xf32>,
      %get3A_179 = arith.index_cast %scan3A_149 : i32 to index
      %get3A_180 = arith.constant 32 : index
      %get3A_181 = tpu.vector_load %arg17[%get3A_179, %get3A_180] {strides = array<i32>} : memref<128x128xf32, #tpu.memory_space<vmem>>, vector<16xf32>,
      %mul3A_182 = arith.mulf %get3A_181, %gather3A_155 : vector<16xf32>
      %get3A_183 = arith.index_cast %scan3A_149 : i32 to index
      %get3A_184 = arith.constant 32 : index
      %get3A_185 = tpu.vector_load %arg16[%get3A_183, %get3A_184] {strides = array<i32>} : memref<128x128xf32, #tpu.memory_space<vmem>>, vector<16xf32>,
      %mul3A_186 = arith.mulf %get3A_185, %gather3A_154 : vector<16xf32>
      %add3A_187 = arith.addf %mul3A_182, %mul3A_186 : vector<16xf32>
      %swap3A_188 = arith.index_cast %scan3A_149 : i32 to index
      %swap3A_189 = arith.constant 32 : index
      %swap3A_190 = tpu.vector_load %arg18[%swap3A_188, %swap3A_189] {strides = array<i32>} : memref<128x128xf32, #tpu.memory_space<vmem>>, vector<16xf32>,
      tpu.vector_store %arg18[%swap3A_188, %swap3A_189], %add3A_187 {strides = array<i32>} : memref<128x128xf32, #tpu.memory_space<vmem>>, vector<16xf32>,
      %get3A_191 = arith.index_cast %scan3A_149 : i32 to index
      %get3A_192 = arith.constant 48 : index
      %get3A_193 = tpu.vector_load %arg17[%get3A_191, %get3A_192] {strides = array<i32>} : memref<128x128xf32, #tpu.memory_space<vmem>>, vector<16xf32>,
      %mul3A_194 = arith.mulf %get3A_193, %gather3A_155 : vector<16xf32>
      %get3A_195 = arith.index_cast %scan3A_149 : i32 to index
      %get3A_196 = arith.constant 48 : index
      %get3A_197 = tpu.vector_load %arg16[%get3A_195, %get3A_196] {strides = array<i32>} : memref<128x128xf32, #tpu.memory_space<vmem>>, vector<16xf32>,
      %mul3A_198 = arith.mulf %get3A_197, %gather3A_154 : vector<16xf32>
      %add3A_199 = arith.addf %mul3A_194, %mul3A_198 : vector<16xf32>
      %swap3A_200 = arith.index_cast %scan3A_149 : i32 to index
      %swap3A_201 = arith.constant 48 : index
      %swap3A_202 = tpu.vector_load %arg18[%swap3A_200, %swap3A_201] {strides = array<i32>} : memref<128x128xf32, #tpu.memory_space<vmem>>, vector<16xf32>,
      tpu.vector_store %arg18[%swap3A_200, %swap3A_201], %add3A_199 {strides = array<i32>} : memref<128x128xf32, #tpu.memory_space<vmem>>, vector<16xf32>,
      %get3A_203 = arith.index_cast %scan3A_149 : i32 to index
      %get3A_204 = arith.constant 64 : index
      %get3A_205 = tpu.vector_load %arg17[%get3A_203, %get3A_204] {strides = array<i32>} : memref<128x128xf32, #tpu.memory_space<vmem>>, vector<16xf32>,
      %mul3A_206 = arith.mulf %get3A_205, %gather3A_155 : vector<16xf32>
      %get3A_207 = arith.index_cast %scan3A_149 : i32 to index
      %get3A_208 = arith.constant 64 : index
      %get3A_209 = tpu.vector_load %arg16[%get3A_207, %get3A_208] {strides = array<i32>} : memref<128x128xf32, #tpu.memory_space<vmem>>, vector<16xf32>,
      %mul3A_210 = arith.mulf %get3A_209, %gather3A_154 : vector<16xf32>
      %add3A_211 = arith.addf %mul3A_206, %mul3A_210 : vector<16xf32>
      %swap3A_212 = arith.index_cast %scan3A_149 : i32 to index
      %swap3A_213 = arith.constant 64 : index
      %swap3A_214 = tpu.vector_load %arg18[%swap3A_212, %swap3A_213] {strides = array<i32>} : memref<128x128xf32, #tpu.memory_space<vmem>>, vector<16xf32>,
      tpu.vector_store %arg18[%swap3A_212, %swap3A_213], %add3A_211 {strides = array<i32>} : memref<128x128xf32, #tpu.memory_space<vmem>>, vector<16xf32>,
      %get3A_215 = arith.index_cast %scan3A_149 : i32 to index
      %get3A_216 = arith.constant 80 : index
      %get3A_217 = tpu.vector_load %arg17[%get3A_215, %get3A_216] {strides = array<i32>} : memref<128x128xf32, #tpu.memory_space<vmem>>, vector<16xf32>,
      %mul3A_218 = arith.mulf %get3A_217, %gather3A_155 : vector<16xf32>
      %get3A_219 = arith.index_cast %scan3A_149 : i32 to index
      %get3A_220 = arith.constant 80 : index
      %get3A_221 = tpu.vector_load %arg16[%get3A_219, %get3A_220] {strides = array<i32>} : memref<128x128xf32, #tpu.memory_space<vmem>>, vector<16xf32>,
      %mul3A_222 = arith.mulf %get3A_221, %gather3A_154 : vector<16xf32>
      %add3A_223 = arith.addf %mul3A_218, %mul3A_222 : vector<16xf32>
      %swap3A_224 = arith.index_cast %scan3A_149 : i32 to index
      %swap3A_225 = arith.constant 80 : index
      %swap3A_226 = tpu.vector_load %arg18[%swap3A_224, %swap3A_225] {strides = array<i32>} : memref<128x128xf32, #tpu.memory_space<vmem>>, vector<16xf32>,
      tpu.vector_store %arg18[%swap3A_224, %swap3A_225], %add3A_223 {strides = array<i32>} : memref<128x128xf32, #tpu.memory_space<vmem>>, vector<16xf32>,
      %get3A_227 = arith.index_cast %scan3A_149 : i32 to index
      %get3A_228 = arith.constant 96 : index
      %get3A_229 = tpu.vector_load %arg17[%get3A_227, %get3A_228] {strides = array<i32>} : memref<128x128xf32, #tpu.memory_space<vmem>>, vector<16xf32>,
      %mul3A_230 = arith.mulf %get3A_229, %gather3A_155 : vector<16xf32>
      %get3A_231 = arith.index_cast %scan3A_149 : i32 to index
      %get3A_232 = arith.constant 96 : index
      %get3A_233 = tpu.vector_load %arg16[%get3A_231, %get3A_232] {strides = array<i32>} : memref<128x128xf32, #tpu.memory_space<vmem>>, vector<16xf32>,
      %mul3A_234 = arith.mulf %get3A_233, %gather3A_154 : vector<16xf32>
      %add3A_235 = arith.addf %mul3A_230, %mul3A_234 : vector<16xf32>
      %swap3A_236 = arith.index_cast %scan3A_149 : i32 to index
      %swap3A_237 = arith.constant 96 : index
      %swap3A_238 = tpu.vector_load %arg18[%swap3A_236, %swap3A_237] {strides = array<i32>} : memref<128x128xf32, #tpu.memory_space<vmem>>, vector<16xf32>,
      tpu.vector_store %arg18[%swap3A_236, %swap3A_237], %add3A_235 {strides = array<i32>} : memref<128x128xf32, #tpu.memory_space<vmem>>, vector<16xf32>,
      %get3A_239 = arith.index_cast %scan3A_149 : i32 to index
      %get3A_240 = arith.constant 112 : index
      %get3A_241 = tpu.vector_load %arg17[%get3A_239, %get3A_240] {strides = array<i32>} : memref<128x128xf32, #tpu.memory_space<vmem>>, vector<16xf32>,
      %mul3A_242 = arith.mulf %get3A_241, %gather3A_155 : vector<16xf32>
      %get3A_243 = arith.index_cast %scan3A_149 : i32 to index
      %get3A_244 = arith.constant 112 : index
      %get3A_245 = tpu.vector_load %arg16[%get3A_243, %get3A_244] {strides = array<i32>} : memref<128x128xf32, #tpu.memory_space<vmem>>, vector<16xf32>,
      %mul3A_246 = arith.mulf %get3A_245, %gather3A_154 : vector<16xf32>
      %add3A_247 = arith.addf %mul3A_242, %mul3A_246 : vector<16xf32>
      %swap3A_248 = arith.index_cast %scan3A_149 : i32 to index
      %swap3A_249 = arith.constant 112 : index
      %swap3A_250 = tpu.vector_load %arg18[%swap3A_248, %swap3A_249] {strides = array<i32>} : memref<128x128xf32, #tpu.memory_space<vmem>>, vector<16xf32>,
      tpu.vector_store %arg18[%swap3A_248, %swap3A_249], %add3A_247 {strides = array<i32>} : memref<128x128xf32, #tpu.memory_space<vmem>>, vector<16xf32>,
      %scan3A_251 = arith.constant 0 : i32
      scf.yield %scan3A_251 : i32
    }
    %scan3A_139 = arith.constant 128 : i32
    "tpu.region"() ({
      %run_scoped3A = tpu.sem_alloc : memref<!tpu.dma_semaphore, #tpu.memory_space<semaphore_mem>>
      %dma_start3A = arith.constant 0 : i32
      %dma_start3A_149 = tpu.memref_slice %arg7[%add3A_132, %dma_start3A] : memref<16384x128xf32, #tpu.memory_space<hbm>> -> memref<128x128xf32, #tpu.memory_space<hbm>>
      %dma_start3A_150 = arith.constant 0 : i32
      %dma_start3A_151 = tpu.memref_slice %arg7[%add3A_132, %dma_start3A_150] : memref<16384x128xf32, #tpu.memory_space<hbm>> -> memref<128x128xf32, #tpu.memory_space<hbm>>
      tpu.enqueue_dma source(%arg18 : memref<128x128xf32, #tpu.memory_space<vmem>>) target(%dma_start3A_151 : memref<128x128xf32, #tpu.memory_space<hbm>>) target_semaphore(%run_scoped3A : memref<!tpu.dma_semaphore, #tpu.memory_space<semaphore_mem>>)
      %dma_wait3A = arith.constant 0 : i32
      %dma_wait3A_152 = tpu.memref_slice %arg7[%add3A_132, %dma_wait3A] : memref<16384x128xf32, #tpu.memory_space<hbm>> -> memref<128x128xf32, #tpu.memory_space<hbm>>
      %dma_wait3A_153 = arith.constant 0 : i32
      %dma_wait3A_154 = tpu.memref_slice %arg7[%add3A_132, %dma_wait3A_153] : memref<16384x128xf32, #tpu.memory_space<hbm>> -> memref<128x128xf32, #tpu.memory_space<hbm>>
      tpu.wait_dma2 semaphore(%run_scoped3A : memref<!tpu.dma_semaphore, #tpu.memory_space<semaphore_mem>>) src(%arg18 : memref<128x128xf32, #tpu.memory_space<vmem>>) dst(%dma_wait3A_154 : memref<128x128xf32, #tpu.memory_space<hbm>>)
      tpu.yield
    }) : () -> ()
    %add3A_140 = arith.constant 384 : i32
    %add3A_141 = arith.addi %mul3A_2, %add3A_140 : i32
    "tpu.region"() ({
      %run_scoped3A = tpu.sem_alloc : memref<!tpu.dma_semaphore, #tpu.memory_space<semaphore_mem>>
      %dma_start3A = arith.constant 0 : i32
      %dma_start3A_149 = tpu.memref_slice %arg5[%add3A_141, %dma_start3A] : memref<16384x128xf32, #tpu.memory_space<hbm>> -> memref<128x128xf32, #tpu.memory_space<hbm>>
      %dma_start3A_150 = arith.constant 0 : i32
      %dma_start3A_151 = tpu.memref_slice %arg5[%add3A_141, %dma_start3A_150] : memref<16384x128xf32, #tpu.memory_space<hbm>> -> memref<128x128xf32, #tpu.memory_space<hbm>>
      tpu.enqueue_dma source(%dma_start3A_151 : memref<128x128xf32, #tpu.memory_space<hbm>>) target(%arg16 : memref<128x128xf32, #tpu.memory_space<vmem>>) target_semaphore(%run_scoped3A : memref<!tpu.dma_semaphore, #tpu.memory_space<semaphore_mem>>)
      %dma_wait3A = arith.constant 0 : i32
      %dma_wait3A_152 = tpu.memref_slice %arg5[%add3A_141, %dma_wait3A] : memref<16384x128xf32, #tpu.memory_space<hbm>> -> memref<128x128xf32, #tpu.memory_space<hbm>>
      %dma_wait3A_153 = arith.constant 0 : i32
      %dma_wait3A_154 = tpu.memref_slice %arg5[%add3A_141, %dma_wait3A_153] : memref<16384x128xf32, #tpu.memory_space<hbm>> -> memref<128x128xf32, #tpu.memory_space<hbm>>
      tpu.wait_dma2 semaphore(%run_scoped3A : memref<!tpu.dma_semaphore, #tpu.memory_space<semaphore_mem>>) src(%dma_wait3A_154 : memref<128x128xf32, #tpu.memory_space<hbm>>) dst(%arg16 : memref<128x128xf32, #tpu.memory_space<vmem>>)
      tpu.yield
    }) : () -> ()
    "tpu.region"() ({
      %run_scoped3A = tpu.sem_alloc : memref<!tpu.dma_semaphore, #tpu.memory_space<semaphore_mem>>
      %dma_start3A = arith.constant 0 : i32
      %dma_start3A_149 = tpu.memref_slice %arg6[%add3A_141, %dma_start3A] : memref<16384x128xf32, #tpu.memory_space<hbm>> -> memref<128x128xf32, #tpu.memory_space<hbm>>
      %dma_start3A_150 = arith.constant 0 : i32
      %dma_start3A_151 = tpu.memref_slice %arg6[%add3A_141, %dma_start3A_150] : memref<16384x128xf32, #tpu.memory_space<hbm>> -> memref<128x128xf32, #tpu.memory_space<hbm>>
      tpu.enqueue_dma source(%dma_start3A_151 : memref<128x128xf32, #tpu.memory_space<hbm>>) target(%arg17 : memref<128x128xf32, #tpu.memory_space<vmem>>) target_semaphore(%run_scoped3A : memref<!tpu.dma_semaphore, #tpu.memory_space<semaphore_mem>>)
      %dma_wait3A = arith.constant 0 : i32
      %dma_wait3A_152 = tpu.memref_slice %arg6[%add3A_141, %dma_wait3A] : memref<16384x128xf32, #tpu.memory_space<hbm>> -> memref<128x128xf32, #tpu.memory_space<hbm>>
      %dma_wait3A_153 = arith.constant 0 : i32
      %dma_wait3A_154 = tpu.memref_slice %arg6[%add3A_141, %dma_wait3A_153] : memref<16384x128xf32, #tpu.memory_space<hbm>> -> memref<128x128xf32, #tpu.memory_space<hbm>>
      tpu.wait_dma2 semaphore(%run_scoped3A : memref<!tpu.dma_semaphore, #tpu.memory_space<semaphore_mem>>) src(%dma_wait3A_154 : memref<128x128xf32, #tpu.memory_space<hbm>>) dst(%arg17 : memref<128x128xf32, #tpu.memory_space<vmem>>)
      tpu.yield
    }) : () -> ()
    %scan3A_142 = arith.constant 0 : i32
    %scan3A_143 = arith.constant 0 : i32
    %scan3A_144 = arith.constant 128 : i32
    %scan3A_145 = arith.addi %scan3A_143, %scan3A_144 : i32
    %scan3A_146 = arith.constant 1 : i32
    %scan3A_147 = scf.for %scan3A_149 = %scan3A_143 to %scan3A_145 step %scan3A_146 iter_args(%scan3A_150 = %scan3A_142) -> (i32)  : i32 {
      %add3A_151 = arith.constant 384 : i32
      %add3A_152 = arith.addi %add3A_151, %scan3A_149 : i32
      %broadcast_in_dim3A_153 = vector.broadcast %add3A_152 : i32 to vector<16xi32>
      %gather3A_154 = tpu.vector_load_idx %arg12[%broadcast_in_dim3A_153] : memref<512xf32, #tpu.memory_space<vmem>>[vector<16xi32>], vector<16xf32>,
      %gather3A_155 = tpu.vector_load_idx %arg13[%broadcast_in_dim3A_153] : memref<512xf32, #tpu.memory_space<vmem>>[vector<16xi32>], vector<16xf32>,
      %get3A = arith.index_cast %scan3A_149 : i32 to index
      %get3A_156 = arith.constant 0 : index
      %get3A_157 = tpu.vector_load %arg17[%get3A, %get3A_156] {strides = array<i32>} : memref<128x128xf32, #tpu.memory_space<vmem>>, vector<16xf32>,
      %mul3A_158 = arith.mulf %get3A_157, %gather3A_155 : vector<16xf32>
      %get3A_159 = arith.index_cast %scan3A_149 : i32 to index
      %get3A_160 = arith.constant 0 : index
      %get3A_161 = tpu.vector_load %arg16[%get3A_159, %get3A_160] {strides = array<i32>} : memref<128x128xf32, #tpu.memory_space<vmem>>, vector<16xf32>,
      %mul3A_162 = arith.mulf %get3A_161, %gather3A_154 : vector<16xf32>
      %add3A_163 = arith.addf %mul3A_158, %mul3A_162 : vector<16xf32>
      %swap3A_164 = arith.index_cast %scan3A_149 : i32 to index
      %swap3A_165 = arith.constant 0 : index
      %swap3A_166 = tpu.vector_load %arg18[%swap3A_164, %swap3A_165] {strides = array<i32>} : memref<128x128xf32, #tpu.memory_space<vmem>>, vector<16xf32>,
      tpu.vector_store %arg18[%swap3A_164, %swap3A_165], %add3A_163 {strides = array<i32>} : memref<128x128xf32, #tpu.memory_space<vmem>>, vector<16xf32>,
      %get3A_167 = arith.index_cast %scan3A_149 : i32 to index
      %get3A_168 = arith.constant 16 : index
      %get3A_169 = tpu.vector_load %arg17[%get3A_167, %get3A_168] {strides = array<i32>} : memref<128x128xf32, #tpu.memory_space<vmem>>, vector<16xf32>,
      %mul3A_170 = arith.mulf %get3A_169, %gather3A_155 : vector<16xf32>
      %get3A_171 = arith.index_cast %scan3A_149 : i32 to index
      %get3A_172 = arith.constant 16 : index
      %get3A_173 = tpu.vector_load %arg16[%get3A_171, %get3A_172] {strides = array<i32>} : memref<128x128xf32, #tpu.memory_space<vmem>>, vector<16xf32>,
      %mul3A_174 = arith.mulf %get3A_173, %gather3A_154 : vector<16xf32>
      %add3A_175 = arith.addf %mul3A_170, %mul3A_174 : vector<16xf32>
      %swap3A_176 = arith.index_cast %scan3A_149 : i32 to index
      %swap3A_177 = arith.constant 16 : index
      %swap3A_178 = tpu.vector_load %arg18[%swap3A_176, %swap3A_177] {strides = array<i32>} : memref<128x128xf32, #tpu.memory_space<vmem>>, vector<16xf32>,
      tpu.vector_store %arg18[%swap3A_176, %swap3A_177], %add3A_175 {strides = array<i32>} : memref<128x128xf32, #tpu.memory_space<vmem>>, vector<16xf32>,
      %get3A_179 = arith.index_cast %scan3A_149 : i32 to index
      %get3A_180 = arith.constant 32 : index
      %get3A_181 = tpu.vector_load %arg17[%get3A_179, %get3A_180] {strides = array<i32>} : memref<128x128xf32, #tpu.memory_space<vmem>>, vector<16xf32>,
      %mul3A_182 = arith.mulf %get3A_181, %gather3A_155 : vector<16xf32>
      %get3A_183 = arith.index_cast %scan3A_149 : i32 to index
      %get3A_184 = arith.constant 32 : index
      %get3A_185 = tpu.vector_load %arg16[%get3A_183, %get3A_184] {strides = array<i32>} : memref<128x128xf32, #tpu.memory_space<vmem>>, vector<16xf32>,
      %mul3A_186 = arith.mulf %get3A_185, %gather3A_154 : vector<16xf32>
      %add3A_187 = arith.addf %mul3A_182, %mul3A_186 : vector<16xf32>
      %swap3A_188 = arith.index_cast %scan3A_149 : i32 to index
      %swap3A_189 = arith.constant 32 : index
      %swap3A_190 = tpu.vector_load %arg18[%swap3A_188, %swap3A_189] {strides = array<i32>} : memref<128x128xf32, #tpu.memory_space<vmem>>, vector<16xf32>,
      tpu.vector_store %arg18[%swap3A_188, %swap3A_189], %add3A_187 {strides = array<i32>} : memref<128x128xf32, #tpu.memory_space<vmem>>, vector<16xf32>,
      %get3A_191 = arith.index_cast %scan3A_149 : i32 to index
      %get3A_192 = arith.constant 48 : index
      %get3A_193 = tpu.vector_load %arg17[%get3A_191, %get3A_192] {strides = array<i32>} : memref<128x128xf32, #tpu.memory_space<vmem>>, vector<16xf32>,
      %mul3A_194 = arith.mulf %get3A_193, %gather3A_155 : vector<16xf32>
      %get3A_195 = arith.index_cast %scan3A_149 : i32 to index
      %get3A_196 = arith.constant 48 : index
      %get3A_197 = tpu.vector_load %arg16[%get3A_195, %get3A_196] {strides = array<i32>} : memref<128x128xf32, #tpu.memory_space<vmem>>, vector<16xf32>,
      %mul3A_198 = arith.mulf %get3A_197, %gather3A_154 : vector<16xf32>
      %add3A_199 = arith.addf %mul3A_194, %mul3A_198 : vector<16xf32>
      %swap3A_200 = arith.index_cast %scan3A_149 : i32 to index
      %swap3A_201 = arith.constant 48 : index
      %swap3A_202 = tpu.vector_load %arg18[%swap3A_200, %swap3A_201] {strides = array<i32>} : memref<128x128xf32, #tpu.memory_space<vmem>>, vector<16xf32>,
      tpu.vector_store %arg18[%swap3A_200, %swap3A_201], %add3A_199 {strides = array<i32>} : memref<128x128xf32, #tpu.memory_space<vmem>>, vector<16xf32>,
      %get3A_203 = arith.index_cast %scan3A_149 : i32 to index
      %get3A_204 = arith.constant 64 : index
      %get3A_205 = tpu.vector_load %arg17[%get3A_203, %get3A_204] {strides = array<i32>} : memref<128x128xf32, #tpu.memory_space<vmem>>, vector<16xf32>,
      %mul3A_206 = arith.mulf %get3A_205, %gather3A_155 : vector<16xf32>
      %get3A_207 = arith.index_cast %scan3A_149 : i32 to index
      %get3A_208 = arith.constant 64 : index
      %get3A_209 = tpu.vector_load %arg16[%get3A_207, %get3A_208] {strides = array<i32>} : memref<128x128xf32, #tpu.memory_space<vmem>>, vector<16xf32>,
      %mul3A_210 = arith.mulf %get3A_209, %gather3A_154 : vector<16xf32>
      %add3A_211 = arith.addf %mul3A_206, %mul3A_210 : vector<16xf32>
      %swap3A_212 = arith.index_cast %scan3A_149 : i32 to index
      %swap3A_213 = arith.constant 64 : index
      %swap3A_214 = tpu.vector_load %arg18[%swap3A_212, %swap3A_213] {strides = array<i32>} : memref<128x128xf32, #tpu.memory_space<vmem>>, vector<16xf32>,
      tpu.vector_store %arg18[%swap3A_212, %swap3A_213], %add3A_211 {strides = array<i32>} : memref<128x128xf32, #tpu.memory_space<vmem>>, vector<16xf32>,
      %get3A_215 = arith.index_cast %scan3A_149 : i32 to index
      %get3A_216 = arith.constant 80 : index
      %get3A_217 = tpu.vector_load %arg17[%get3A_215, %get3A_216] {strides = array<i32>} : memref<128x128xf32, #tpu.memory_space<vmem>>, vector<16xf32>,
      %mul3A_218 = arith.mulf %get3A_217, %gather3A_155 : vector<16xf32>
      %get3A_219 = arith.index_cast %scan3A_149 : i32 to index
      %get3A_220 = arith.constant 80 : index
      %get3A_221 = tpu.vector_load %arg16[%get3A_219, %get3A_220] {strides = array<i32>} : memref<128x128xf32, #tpu.memory_space<vmem>>, vector<16xf32>,
      %mul3A_222 = arith.mulf %get3A_221, %gather3A_154 : vector<16xf32>
      %add3A_223 = arith.addf %mul3A_218, %mul3A_222 : vector<16xf32>
      %swap3A_224 = arith.index_cast %scan3A_149 : i32 to index
      %swap3A_225 = arith.constant 80 : index
      %swap3A_226 = tpu.vector_load %arg18[%swap3A_224, %swap3A_225] {strides = array<i32>} : memref<128x128xf32, #tpu.memory_space<vmem>>, vector<16xf32>,
      tpu.vector_store %arg18[%swap3A_224, %swap3A_225], %add3A_223 {strides = array<i32>} : memref<128x128xf32, #tpu.memory_space<vmem>>, vector<16xf32>,
      %get3A_227 = arith.index_cast %scan3A_149 : i32 to index
      %get3A_228 = arith.constant 96 : index
      %get3A_229 = tpu.vector_load %arg17[%get3A_227, %get3A_228] {strides = array<i32>} : memref<128x128xf32, #tpu.memory_space<vmem>>, vector<16xf32>,
      %mul3A_230 = arith.mulf %get3A_229, %gather3A_155 : vector<16xf32>
      %get3A_231 = arith.index_cast %scan3A_149 : i32 to index
      %get3A_232 = arith.constant 96 : index
      %get3A_233 = tpu.vector_load %arg16[%get3A_231, %get3A_232] {strides = array<i32>} : memref<128x128xf32, #tpu.memory_space<vmem>>, vector<16xf32>,
      %mul3A_234 = arith.mulf %get3A_233, %gather3A_154 : vector<16xf32>
      %add3A_235 = arith.addf %mul3A_230, %mul3A_234 : vector<16xf32>
      %swap3A_236 = arith.index_cast %scan3A_149 : i32 to index
      %swap3A_237 = arith.constant 96 : index
      %swap3A_238 = tpu.vector_load %arg18[%swap3A_236, %swap3A_237] {strides = array<i32>} : memref<128x128xf32, #tpu.memory_space<vmem>>, vector<16xf32>,
      tpu.vector_store %arg18[%swap3A_236, %swap3A_237], %add3A_235 {strides = array<i32>} : memref<128x128xf32, #tpu.memory_space<vmem>>, vector<16xf32>,
      %get3A_239 = arith.index_cast %scan3A_149 : i32 to index
      %get3A_240 = arith.constant 112 : index
      %get3A_241 = tpu.vector_load %arg17[%get3A_239, %get3A_240] {strides = array<i32>} : memref<128x128xf32, #tpu.memory_space<vmem>>, vector<16xf32>,
      %mul3A_242 = arith.mulf %get3A_241, %gather3A_155 : vector<16xf32>
      %get3A_243 = arith.index_cast %scan3A_149 : i32 to index
      %get3A_244 = arith.constant 112 : index
      %get3A_245 = tpu.vector_load %arg16[%get3A_243, %get3A_244] {strides = array<i32>} : memref<128x128xf32, #tpu.memory_space<vmem>>, vector<16xf32>,
      %mul3A_246 = arith.mulf %get3A_245, %gather3A_154 : vector<16xf32>
      %add3A_247 = arith.addf %mul3A_242, %mul3A_246 : vector<16xf32>
      %swap3A_248 = arith.index_cast %scan3A_149 : i32 to index
      %swap3A_249 = arith.constant 112 : index
      %swap3A_250 = tpu.vector_load %arg18[%swap3A_248, %swap3A_249] {strides = array<i32>} : memref<128x128xf32, #tpu.memory_space<vmem>>, vector<16xf32>,
      tpu.vector_store %arg18[%swap3A_248, %swap3A_249], %add3A_247 {strides = array<i32>} : memref<128x128xf32, #tpu.memory_space<vmem>>, vector<16xf32>,
      %scan3A_251 = arith.constant 0 : i32
      scf.yield %scan3A_251 : i32
    }
    %scan3A_148 = arith.constant 128 : i32
    "tpu.region"() ({
      %run_scoped3A = tpu.sem_alloc : memref<!tpu.dma_semaphore, #tpu.memory_space<semaphore_mem>>
      %dma_start3A = arith.constant 0 : i32
      %dma_start3A_149 = tpu.memref_slice %arg7[%add3A_141, %dma_start3A] : memref<16384x128xf32, #tpu.memory_space<hbm>> -> memref<128x128xf32, #tpu.memory_space<hbm>>
      %dma_start3A_150 = arith.constant 0 : i32
      %dma_start3A_151 = tpu.memref_slice %arg7[%add3A_141, %dma_start3A_150] : memref<16384x128xf32, #tpu.memory_space<hbm>> -> memref<128x128xf32, #tpu.memory_space<hbm>>
      tpu.enqueue_dma source(%arg18 : memref<128x128xf32, #tpu.memory_space<vmem>>) target(%dma_start3A_151 : memref<128x128xf32, #tpu.memory_space<hbm>>) target_semaphore(%run_scoped3A : memref<!tpu.dma_semaphore, #tpu.memory_space<semaphore_mem>>)
      %dma_wait3A = arith.constant 0 : i32
      %dma_wait3A_152 = tpu.memref_slice %arg7[%add3A_141, %dma_wait3A] : memref<16384x128xf32, #tpu.memory_space<hbm>> -> memref<128x128xf32, #tpu.memory_space<hbm>>
      %dma_wait3A_153 = arith.constant 0 : i32
      %dma_wait3A_154 = tpu.memref_slice %arg7[%add3A_141, %dma_wait3A_153] : memref<16384x128xf32, #tpu.memory_space<hbm>> -> memref<128x128xf32, #tpu.memory_space<hbm>>
      tpu.wait_dma2 semaphore(%run_scoped3A : memref<!tpu.dma_semaphore, #tpu.memory_space<semaphore_mem>>) src(%arg18 : memref<128x128xf32, #tpu.memory_space<vmem>>) dst(%dma_wait3A_154 : memref<128x128xf32, #tpu.memory_space<hbm>>)
      tpu.yield
    }) : () -> ()
    return
  }
}

</mosaic_0001>

<sc_bundles>
// kernel: kernel.3.cloned.1.call-start
scs
__scs_entry_jumppad:
0x0: {  	(pc) =	sbr.rel $0x88, $3  }
0x1: {  	(tag) =	ssettag $0x0;
	lr =	simm.s32 $0x1  }
0x2: {  	[smem:$0x3F9C] =	sst lr;
	_ =	strace $0xD0000000  }
0x3: {  	_ = 	snop  }
0x4: {  	_ = 	snop  }
0x5: {  	_ = 	snop  }
0x6: {  	_ = 	snop  }
0x7: {  	_ = 	snop  }
__scs_overlays_trampoline_lowered:
0x8: {  	[smem:$0x3FAB] =	sst s0  }
0x9: {  	[smem:$0x3FAC] =	sst s1  }
0xa: {  	[smem:$0x3FAD] =	sst s2  }
0xb: {  	[smem:$0x3FAE] =	sst s3  }
0xc: {  	[smem:$0x3FAF] =	sst s4  }
0xd: {  	[smem:$0x3FB0] =	sst s5  }
0xe: {  	[smem:$0x3FB1] =	sst s6  }
0xf: {  	[smem:$0x3FB2] =	sst s7  }
0x10: {  	[smem:$0x3FB3] =	sst s8  }
0x11: {  	[smem:$0x3FB4] =	sst s9;
	s0 =	simm.s32 @!p0 $0x0  }
0x12: {  	s1 =	sld [smem:$0x3F9A];
	s0 =	simm.s32 @p0 $0x1  }
0x13: {  	[smem:$0x3FB5] =	sst s0;
	s0 =	simm.s32 @!p1 $0x0  }
0x14: {  	s2 =	sld [smem:$0x3F99];
	s0 =	simm.s32 @p1 $0x1  }
0x15: {  	[smem:$0x3FB6] =	sst s0;
	s0 =	simm.s32 @!p2 $0x0  }
0x16: {  	s3 =	sld [smem:$0x3FDB];
	s0 =	simm.s32 @p2 $0x1  }
0x17: {  	s4 =	simm.s32 $0x1BF5;
	[smem:$0x3FB8] =	sst s0  }
0x18: {  	s0 =	sld [smem:$0x3F9B];
	_ =	swait.ge [sflag:s4], $0x0  }
0x19: {  	s7 =	sld [smem:$0x3F9C]  }
0x1a: {  	s8 =	sadd.s32 $0xFFFFE003, lr  }
0x1b: {  	s9 =	sadd.s32 $0xFFFFFEF7, lr;
	s5 =	simm.s32 $0xFFFFFFFF;
	p2 =	slt.u32 s8, $0xFFFFF086  }
0x1c: {  	p1 =	slt.u32 s9, $0xF7A;
	s5 =	simm.s32 @!p2 $0x0  }
0x1d: {  	s5 =	simm.s32 @p1 $0x1;
	p0 =	seq.s32 s7, s2  }
0x1e: {  	s7 =	smul.u32 @!p0 $0xF7A, s2;
	p2 =	seq.s32 @!p0 s5, $0x0  }
0x1f: {  	s9 =	smul.u32 $0xF7A, s1;
	s8 =	simm.s32 @!p0 $0x1BF5;
	p2 =	por !p2, p0  }
0x20: {  	[sflag:s8] =	ssyncset.s32 @!p0 $0xFFFFF086;
	s6 =	sadd.s32 @!p0 s3, s7;
	s7 =	simm.s32 @!p0 $0x108  }
0x21: {  	s3 =	sadd.s32 s3, s9;
	s6 =	sadd.s32 @!p0 $0x88, s6;
	s7 =	simm.s32 @p2 $0x1082  }
0x22: {  	[simem:s7], [sflag:s8] =	dma.local @!p0 [hbm:s6], $0xF7A  }
0x23: {  	s9 =	sor.u32 $0xD0000000, s2;
	s6 =	simm.s32 $0x108;
	_ =	swait.ge @!p0 [sflag:s8], $0x0  }
0x24: {  	s3 =	sadd.s32 $0x88, s3;
	s6 =	simm.s32 @!p1 $0x1082;
	[sflag:s4] =	ssyncset.s32 $0xFFFFF086  }
0x25: {  	[simem:s6], [sflag:s4] =	dma.local [hbm:s3], $0xF7A  }
0x26: {  	[smem:$0x3F9C] =	sst s1;
	(tag) =	ssettag s2;
	_ =	strace s9  }
0x27: {  	s1 =	sld [smem:$0x3FAC]  }
0x28: {  	s2 =	sld [smem:$0x3FAD]  }
0x29: {  	s4 =	sld [smem:$0x3FAF]  }
0x2a: {  	p0 =	seq.s32 s5, $0x0;
	s5 =	sld [smem:$0x3FB0]  }
0x2b: {  	s6 =	sld [smem:$0x3FB1]  }
0x2c: {  	s7 =	sld [smem:$0x3FB2]  }
0x2d: {  	s3 =	simm.s32 $0x108;
	s8 =	sld [smem:$0x3FB3]  }
0x2e: {  	s3 =	simm.s32 @!p0 $0x1082;
	s9 =	sld [smem:$0x3FB4]  }
0x2f: {  	lr =	sadd.s32 s0, s3;
	s0 =	sld [smem:$0x3FAB]  }
0x30: {  	s3 =	sld [smem:$0x3FAE]  }
0x31: {  	[smem:$0x3FB7] =	sst s10  }
0x32: {  	s10 =	sld [smem:$0x3FB5];
	_ =	sdelay $0x3  }
0x33: {  	p0 =	seq.s32 s10, $0x1;
	s10 =	sld [smem:$0x3FB7];
	_ =	sdelay $0x3  }
0x34: {  	[smem:$0x3FB7] =	sst s10  }
0x35: {  	s10 =	sld [smem:$0x3FB6];
	_ =	sdelay $0x3  }
0x36: {  	p1 =	seq.s32 s10, $0x1;
	s10 =	sld [smem:$0x3FB7];
	_ =	sdelay $0x3  }
0x37: {  	[smem:$0x3FB7] =	sst s10  }
0x38: {  	s10 =	sld [smem:$0x3FB8]  }
0x39: {  	_ = 	snop;
	(pc) =	sbr.ind lr, $3  }
0x3a: {  	_ = 	snop  }
0x3b: {  	_ = 	snop  }
0x3c: {  	p2 =	seq.s32 s10, $0x1;
	s10 =	sld [smem:$0x3FB7]  }
0x3d: {  	_ =	shalt  }
0x3e: {  	_ =	shalt  }
0x3f: {  	_ =	shalt  }
0x40: {  	_ =	shalt  }
0x41: {  	_ =	shalt  }
0x42: {  	_ =	shalt  }
0x43: {  	_ =	shalt  }
0x44: {  	_ =	shalt  }
0x45: {  	_ =	shalt  }
0x46: {  	_ =	shalt  }
0x47: {  	_ =	shalt  }
0x48: {  	_ =	shalt  }
0x49: {  	_ =	shalt  }
0x4a: {  	_ =	shalt  }
0x4b: {  	_ =	shalt  }
0x4c: {  	_ =	shalt  }
0x4d: {  	_ =	shalt  }
0x4e: {  	_ =	shalt  }
0x4f: {  	_ =	shalt  }
0x50: {  	_ =	shalt  }
0x51: {  	_ =	shalt  }
0x52: {  	_ =	shalt  }
0x53: {  	_ =	shalt  }
0x54: {  	_ =	shalt  }
0x55: {  	_ =	shalt  }
0x56: {  	_ =	shalt  }
0x57: {  	_ =	shalt  }
0x58: {  	_ =	shalt  }
0x59: {  	_ =	shalt  }
0x5a: {  	_ =	shalt  }
0x5b: {  	_ =	shalt  }
0x5c: {  	_ =	shalt  }
0x5d: {  	_ =	shalt  }
0x5e: {  	_ =	shalt  }
0x5f: {  	_ =	shalt  }
0x60: {  	_ =	shalt  }
0x61: {  	_ =	shalt  }
0x62: {  	_ =	shalt  }
0x63: {  	_ =	shalt  }
0x64: {  	_ =	shalt  }
0x65: {  	_ =	shalt  }
0x66: {  	_ =	shalt  }
0x67: {  	_ =	shalt  }
0x68: {  	_ =	shalt  }
0x69: {  	_ =	shalt  }
0x6a: {  	_ =	shalt  }
0x6b: {  	_ =	shalt  }
0x6c: {  	_ =	shalt  }
0x6d: {  	_ =	shalt  }
0x6e: {  	_ =	shalt  }
0x6f: {  	_ =	shalt  }
0x70: {  	_ =	shalt  }
0x71: {  	_ =	shalt  }
0x72: {  	_ =	shalt  }
0x73: {  	_ =	shalt  }
0x74: {  	_ =	shalt  }
0x75: {  	_ =	shalt  }
0x76: {  	_ =	shalt  }
0x77: {  	_ =	shalt  }
0x78: {  	_ =	shalt  }
0x79: {  	_ =	shalt  }
0x7a: {  	_ =	shalt  }
0x7b: {  	_ =	shalt  }
0x7c: {  	_ =	shalt  }
0x7d: {  	_ =	shalt  }
0x7e: {  	_ =	shalt  }
0x7f: {  	_ =	shalt  }
0x80: {  	_ =	shalt  }
0x81: {  	_ =	shalt  }
0x82: {  	_ =	shalt  }
0x83: {  	_ =	shalt  }
0x84: {  	_ =	shalt  }
0x85: {  	_ =	shalt  }
0x86: {  	_ =	shalt  }
0x87: {  	_ =	shalt  }
.Lfunc_end0:
.L_simem_size_0:
called_computation_lowered:
.L_overlay_start_0:
0x88: {  	s2 =	sld [smem:$0x3FD9]  }
0x89: {  	s3 =	sld [smem:$0x3FFE];
	_ =	sdelay $0x1  }
0x8a: {  	s1 =	srdreg.scid  }
0x8b: {  	s0 =	sand.u32 $0x1, s1  }
0x8c: {  	s18 =	sshll.u32 s0, $0xA;
	s2 =	sadd.s32 s3, s2  }
0x8d: {  	s2 =	sadd.s32 s2, s18  }
0x8e: {  	[smem:$0x3FC3] =	sst s2  }
0x8f: {  	_ = 	snop  }
0x90: {  	s2 =	sld [smem:$0x3FC9]  }
0x91: {  	s19 =	sld [smem:$0x3FC8]  }
0x92: {  	s4 =	sld [smem:$0x3FC7]  }
0x93: {  	s5 =	sld [smem:$0x3FC6]  }
0x94: {  	s6 =	sld [smem:$0x3FC5]  }
0x95: {  	s7 =	sld [smem:$0x3FD0];
	(tm) =	ssettm $0x1  }
0x96: {  	s8 =	sld [smem:$0x3FFB];
	_ =	sdelay $0x3  }
0x97: {  	_ =	strace s8  }
0x98: {  	s8 =	sld [smem:$0x3FFC];
	_ =	sdelay $0x3  }
0x99: {  	_ =	strace s8  }
0x9a: {  	s8 =	sld [smem:$0x3FFD];
	_ =	sdelay $0x3  }
0x9b: {  	_ =	strace s8  }
0x9c: {  	_ =	strace $0x8FFFFFFF  }
0x9d: {  	s20 =	sld [smem:$0x3FDB];
	_ =	sdelay $0x1  }
0x9e: {  	s9 =	simm.s32 $_scs_section_size  }
0x9f: {  	s10 =	simm.s32 $_size__tile_overlayer_lowered;
	s11 =	simm.s32 $_tile_overlayer_lowered  }
0xa0: {  	s23 =	simm.s32 $0x1BFF;
	s22 =	sshll.u32 s11, $0x1;
	s8 =	sadd.s32 s9, s20  }
0xa1: {  	s12 =	simm.s32 $0x0;
	s21 =	sshll.u32 s10, $0x1;
	s10 =	sadd.s32 s22, s8  }
0xa2: {  	[timem:s12], [sflag:s23] =	dma.local [hbm:s10], s21  }
0xa3: {  	_ =	swait.ge [sflag:s23], s21  }
0xa4: {  	s9 =	ssub.s32 $0x0, s21;
	[sflag:s23] =	ssyncset.done $0x0  }
0xa5: {  	[sflag:s23] =	ssyncadd.s32 s9;
	_ =	sdelay $0x1  }
0xa6: {  	s24 =	simm.s32 $0x1B8B  }
0xa7: {  	_ =	swait.ge [sflag:s24], $0x1  }
0xa8: {  	[sflag:s24] =	ssyncset.done $0x0  }
0xa9: {  	s25 =	simm.s32 $0x1B8E;
	[sflag:s24] =	ssyncadd.s32 $0xFFFFFFFF  }
0xaa: {  	s26 =	simm.s32 $execute0_lowered;
	[smem:$0x3FD2] =	sst s25  }
0xab: {  	s9 =	sshll.u32 s26, $0x1;
	_ =	strace $0x80000046;
	[dreg:$0x1] =	wrdreg $0xFFFFFFFF  }
0xac: {  	s28 =	simm.s32 $_size_execute0_lowered;
	s8 =	sadd.s32 s8, s9;
	[dreg:$0x0] =	wrdreg $0x0  }
0xad: {  	s9 =	sshll.u32 s28, $0x1;
	[dreg:$0x2] =	wrdreg s8  }
0xae: {  	[dreg:$0x3] =	wrdreg s9  }
0xaf: {  	[dreg:$0x4] =	wrdreg $0xC0  }
0xb0: {  	_ =	task [dreg:s12], $0x5FFFF  }
0xb1: {  	[dreg:$0x1] =	wrdreg $0xFFFFFFFF  }
0xb2: {  	[dreg:$0x0] =	wrdreg $0x60  }
0xb3: {  	[dreg:$0x2] =	wrdreg s2  }
0xb4: {  	[dreg:$0x3] =	wrdreg s19  }
0xb5: {  	[dreg:$0x4] =	wrdreg s4  }
0xb6: {  	[dreg:$0x5] =	wrdreg s5  }
0xb7: {  	[dreg:$0x6] =	wrdreg s6  }
0xb8: {  	[dreg:$0x7] =	wrdreg s7  }
0xb9: {  	[dreg:$0x8] =	wrdreg $0x9  }
0xba: {  	_ =	task.clear_ibuf [dreg:s12], $0x9FFFF;
	_ =	strace $0x90000046  }
0xbb: {  	s29 =	simm.s32 $0x9;
	_ =	strace $0x80000048  }
0xbc: {  	_ =	swait.ge [sflag:s29], $0x1  }
0xbd: {  	[sflag:s29] =	ssyncadd.s32 $0xFFFFFFFF  }
0xbe: {  	_ =	strace $0x90000048  }
0xbf: {  	_ =	sfence  }
0xc0: {  	s30 =	sld [smem:$0x0];
	_ =	sdelay $0x2  }
0xc1: {  	s31 =	sshll.u32 s1, $0xD;
	s1 =	sshrl.u32 s1, $0x2  }
0xc2: {  	s3 =	sand.u32 $0x4000, s31;
	s1 =	sadd.s32 s1, s30  }
0xc3: {  	s0 =	sor.u32 s3, s0;
	s1 =	sshll.u32 s1, $0x11  }
0xc4: {  	s0 =	sor.u32 s1, s0  }
0xc5: {  	s0 =	sadd.s32 $0x8F2B, s0  }
0xc6: {  	[sflag:s0] =	ssyncadd.remote.s32 $0x1  }
0xc7: {  	_ =	sfence.sel $0xFFFF  }
0xc8: {  	[dreg:$0x0] =	wrdreg $0xFFFFFFFF;
	(pc) =	sbr.abs _section_cstart, $3  }
0xc9: {  	[dreg:$0x1] =	wrdreg $0xFFFFFFFF  }
0xca: {  	_ =	task.clear_ibuf [dreg:s12], $0x2FFFF;
	_ =	strace $0x9FFFFFFF  }
0xcb: {  	(tm) =	ssettm $0x7FFFFFFF  }
tec
execute0_lowered:
.L_overlay_start_1:
0x0: {  	(tag) =	ssettag $0x1  }
0x1: {  	s0 =	rddreg [dreg:$0x1]  }
0x2: {  	s9 =	rddreg [dreg:$0x2]  }
0x3: {  	s1 =	rddreg [dreg:$0x3]  }
0x4: {  	s2 =	rddreg [dreg:$0x4]  }
0x5: {  	s3 =	rddreg [dreg:$0x5];
	s4 =	simm.s32 $0x0;
	s5 =	srdreg.scid  }
0x6: {  	s7 =	stileid.u32;
	s20 =	simm.s32 $0x1;
	s28 =	simm.s32 $0xC900  }
0x7: {  	s29 =	simm.s32 $0x8400;
	s30 =	simm.s32 $0x8600;
	s5 =	sand.u32 $0x1, s5  }
0x8: {  	s7 =	sshll.u32 s7, $0xA;
	s6 =	ssub.s32 $0x2, s5;
	s5 =	sshll.u32 s5, $0x9  }
0x9: {  	s31 =	simm.s32 $0x10900;
	[smem:$0x7FF] =	sst s4;
	s5 =	sor.u32 s5, s7  }
0xa: {  	_ =	strace $0x80000047;
	s8 =	sshrl.u32 s6, $0x1;
	s24 =	sshrl.u32 s5, $0x3  }
0xb: {  	s19 =	ssub.s32 s6, s8;
	s14 =	sshll.u32 s5, $0x4;
	s5 =	sadd.s32 s0, s24  }
0xc: {  	s6 =	sadd.s32 s9, s24;
	s7 =	sadd.s32 s1, s14;
	s8 =	sadd.s32 s2, s14  }
0xd: {  	s9 =	sadd.s32 s3, s14;
	s25 =	sor.u32 $0x800, s14;
	s15 =	sor.u32 $0x1000, s14  }
0xe: {  	v0 =	vimm.s32 $0x1;
	v1 =	vimm.s32 $0x2;
	v2 =	vimm.s32 $0x3;
	s26 =	sor.u32 $0x1800, s14;
	s19 =	smax.u32 s19, $0x1;
	s24 =	simm.s32 $0x8800  }
0xf: {  	v3 =	vimm.s32 $0x4;
	v4 =	vimm.s32 $0x5;
	v5 =	vimm.s32 $0x6;
	s0 =	simm.s32 $0x0;
	s10 =	sadd.s32 s1, s25;
	s11 =	sadd.s32 s2, s25  }
0x10: {  	v6 =	vimm.s32 $0x7;
	v7 =	vimm.s32 $0x8;
	v8 =	vimm.s32 $0x9;
	s12 =	sadd.s32 s3, s25;
	s13 =	sadd.s32 s1, s15;
	s14 =	sadd.s32 s2, s15  }
0x11: {  	v9 =	vimm.s32 $0xA;
	v10 =	vimm.s32 $0xB;
	v11 =	vimm.s32 $0xC;
	s15 =	sadd.s32 s3, s15;
	s16 =	sadd.s32 s1, s26;
	s17 =	sadd.s32 s2, s26  }
0x12: {  	v12 =	vimm.s32 $0xD;
	v13 =	vimm.s32 $0xE;
	v14 =	vimm.s32 $0xF;
	s18 =	sadd.s32 s3, s26;
	s25 =	simm.s32 $0x8880;
	s26 =	simm.s32 $0x8900  }
.LBB2_1:
0x13: {  	s1 =	rddreg [dreg:$0x0]  }
0x14: {  	[tilespmem:s4], [sflag:$0x1] =	stream.linear.gather [hbm4b:s1+s4], $0x4000, $0x38;
	[tilespmem:$0x14900] =	vst v63  }
0x15: {  	_ =	swait.ge [sflag:s20], $0x4000  }
0x16: {  	[sflag:s20] =	ssyncset.done $0x0  }
0x17: {  	[sflag:s20] =	ssyncadd.s32 $0xFFFFC000  }
0x18: {  	s2 =	simm.s32 $0x4000;
	s3 =	rddreg [dreg:$0x2]  }
0x19: {  	[tilespmem:s2], [sflag:$0x1] =	stream.linear.gather [hbm4b:s3+s4], $0x4000, $0x38;
	[tilespmem:$0x14900] =	vst v63  }
0x1a: {  	_ =	swait.ge [sflag:s20], $0x4000  }
0x1b: {  	[sflag:s20] =	ssyncset.done $0x0  }
0x1c: {  	s21 =	simm.s32 $0x8000;
	[sflag:s20] =	ssyncadd.s32 $0xFFFFC000  }
0x1d: {  	[tilespmem:s21], [sflag:$0x1] =	stream.linear.gather [hbm4b:s5+s4], $0x200, $0x38;
	[tilespmem:$0x14900] =	vst v63  }
0x1e: {  	_ =	swait.ge [sflag:s20], $0x200  }
0x1f: {  	[sflag:s20] =	ssyncset.done $0x0  }
0x20: {  	s22 =	simm.s32 $0x8200;
	[sflag:s20] =	ssyncadd.s32 $0xFFFFFE00  }
0x21: {  	[tilespmem:s22], [sflag:$0x1] =	stream.linear.gather [hbm4b:s6+s4], $0x200, $0x38;
	[tilespmem:$0x14900] =	vst v63  }
0x22: {  	_ =	swait.ge [sflag:s20], $0x200  }
0x23: {  	[sflag:s20] =	ssyncset.done $0x0  }
0x24: {  	s23 =	simm.s32 $0x0;
	[sflag:s20] =	ssyncadd.s32 $0xFFFFFE00  }
0x25: {  	v16 =	vld [tilespmem:s23+$0x0]  }
0x26: {  	v15 =	vimm.f32 $-Inf;
	v17 =	vimm.f32 $-Inf;
	s1 =	simm.s32 $0x40;
	v18 =	vld [tilespmem:s23+$0x4000]  }
.LBB2_2:
0x27: {  	_ = 	snop  }
0x28: {  	p0 =	sne.s32 s1, $0xFFC0  }
.Ltmp0:
0x29: {  	_ = 	snop;
	(pc) =	sbr.rel @p0 .LBB2_2-.Ltmp0, $4  }
0x2a: {  	_ = 	snop  }
0x2b: {  	s2 =	sshra.s32 s1, $0x2;
	v19 =	vsub.f32 v16, v18  }
0x2c: {  	v15 =	vmax.f32 v15, v16;
	v16 =	vld [tilespmem:s2+$0x0]  }
0x2d: {  	s1 =	sadd.s32 $0x40, s1;
	v18 =	vld [tilespmem:s2+$0x4000];
	v17 =	vmax.f32 v17, v19  }
0x2e: {  	_ =	sdelay $0x3  }
0x2f: {  	v18 =	vsub.f32 v16, v18  }
0x30: {  	v15 =	vmax.f32 v15, v16  }
0x31: {  	[tilespmem:$0x8800] =	vst v15;
	v16 =	vmax.f32 v17, v18  }
0x32: {  	[tilespmem:$0x8880] =	vst v16  }
0x33: {  	v15 =	vld.msk [tilespmem:s24+$0x0], $0xffff  }
0x34: {  	v16 =	vld.msk [tilespmem:s25+$0x0], $0xffff  }
0x35: {  	v17 =	vld.idx.msk [tilespmem:v0+s24+$0x0], $0xffff  }
0x36: {  	v18 =	vld.idx.msk [tilespmem:v0+s25+$0x0], $0xffff  }
0x37: {  	v19 =	vld.idx.msk [tilespmem:v1+s24+$0x0], $0xffff  }
0x38: {  	v20 =	vld.idx.msk [tilespmem:v1+s25+$0x0], $0xffff  }
0x39: {  	v21 =	vld.idx.msk [tilespmem:v2+s24+$0x0], $0xffff  }
0x3a: {  	v22 =	vld.idx.msk [tilespmem:v2+s25+$0x0], $0xffff  }
0x3b: {  	v23 =	vld.idx.msk [tilespmem:v3+s24+$0x0], $0xffff  }
0x3c: {  	v24 =	vld.idx.msk [tilespmem:v3+s25+$0x0], $0xffff  }
0x3d: {  	v25 =	vld.idx.msk [tilespmem:v4+s24+$0x0], $0xffff  }
0x3e: {  	v26 =	vld.idx.msk [tilespmem:v4+s25+$0x0], $0xffff  }
0x3f: {  	v27 =	vld.idx.msk [tilespmem:v5+s24+$0x0], $0xffff  }
0x40: {  	v28 =	vld.idx.msk [tilespmem:v5+s25+$0x0], $0xffff  }
0x41: {  	v29 =	vld.idx.msk [tilespmem:v6+s24+$0x0], $0xffff  }
0x42: {  	v30 =	vld.idx.msk [tilespmem:v6+s25+$0x0], $0xffff  }
0x43: {  	v31 =	vld.idx.msk [tilespmem:v7+s24+$0x0], $0xffff  }
0x44: {  	v32 =	vld.idx.msk [tilespmem:v7+s25+$0x0], $0xffff  }
0x45: {  	v33 =	vld.idx.msk [tilespmem:v8+s24+$0x0], $0xffff  }
0x46: {  	v34 =	vld.idx.msk [tilespmem:v8+s25+$0x0], $0xffff  }
0x47: {  	v35 =	vld.idx.msk [tilespmem:v9+s24+$0x0], $0xffff  }
0x48: {  	v36 =	vld.idx.msk [tilespmem:v9+s25+$0x0], $0xffff  }
0x49: {  	v58 =	vld.idx.msk [tilespmem:v12+s24+$0x0], $0xffff;
	v15 =	vmax.f32 v15, v17;
	v16 =	vmax.f32 v16, v18  }
0x4a: {  	v59 =	vld.idx.msk [tilespmem:v12+s25+$0x0], $0xffff;
	v15 =	vmax.f32 v15, v19;
	v16 =	vmax.f32 v16, v20  }
0x4b: {  	v60 =	vld.idx.msk [tilespmem:v13+s24+$0x0], $0xffff;
	v15 =	vmax.f32 v15, v21;
	v16 =	vmax.f32 v16, v22  }
0x4c: {  	v17 =	vld.idx.msk [tilespmem:v10+s24+$0x0], $0xffff;
	v15 =	vmax.f32 v15, v23;
	v16 =	vmax.f32 v16, v24  }
0x4d: {  	v18 =	vld.idx.msk [tilespmem:v10+s25+$0x0], $0xffff;
	v15 =	vmax.f32 v15, v25;
	v16 =	vmax.f32 v16, v26  }
0x4e: {  	v19 =	vld.idx.msk [tilespmem:v11+s24+$0x0], $0xffff;
	v15 =	vmax.f32 v15, v27;
	v16 =	vmax.f32 v16, v28  }
0x4f: {  	v20 =	vld.idx.msk [tilespmem:v11+s25+$0x0], $0xffff;
	v15 =	vmax.f32 v15, v29;
	v16 =	vmax.f32 v16, v30  }
0x50: {  	v61 =	vld.idx.msk [tilespmem:v13+s25+$0x0], $0xffff;
	v15 =	vmax.f32 v15, v31;
	v16 =	vmax.f32 v16, v32  }
0x51: {  	v62 =	vld.idx.msk [tilespmem:v14+s24+$0x0], $0xffff;
	v15 =	vmax.f32 v15, v33;
	v16 =	vmax.f32 v16, v34  }
0x52: {  	v63 =	vld.idx.msk [tilespmem:v14+s25+$0x0], $0xffff;
	v15 =	vmax.f32 v15, v35;
	v16 =	vmax.f32 v16, v36  }
0x53: {  	v15 =	vmax.f32 v15, v17;
	v16 =	vmax.f32 v16, v18  }
0x54: {  	v15 =	vmax.f32 v15, v19;
	v16 =	vmax.f32 v16, v20  }
0x55: {  	s1 =	simm.s32 $0x0;
	v15 =	vmax.f32 v15, v58;
	v16 =	vmax.f32 v16, v59  }
0x56: {  	v17 =	vld [tilespmem:s1+$0x8000];
	v15 =	vmax.f32 v15, v60;
	v16 =	vmax.f32 v16, v61  }
0x57: {  	s2 =	simm.s32 $0x40;
	v18 =	vld [tilespmem:s1+$0x8200];
	v15 =	vmax.f32 v15, v62;
	v16 =	vmax.f32 v16, v63  }
.LBB2_4:
0x58: {  	p0 =	sne.s32 s2, $0x7C0  }
.Ltmp1:
0x59: {  	_ = 	snop;
	(pc) =	sbr.rel @p0 .LBB2_4-.Ltmp1, $4  }
0x5a: {  	_ = 	snop  }
0x5b: {  	s3 =	sshra.s32 s2, $0x2;
	s2 =	sadd.s32 $0x40, s2;
	v19 =	vmin.f32 v17, v16  }
0x5c: {  	v17 =	vld [tilespmem:s3+$0x8000];
	v20 =	vmin.f32 v18, v15;
	[tilespmem:s1+$0x8400] =	vst v19  }
0x5d: {  	v18 =	vld [tilespmem:s3+$0x8200];
	[tilespmem:s1+$0x8600] =	vst v20;
	s1 =	smov.u32 s3  }
0x5e: {  	_ =	sdelay $0x2  }
0x5f: {  	v16 =	vmin.f32 v17, v16  }
0x60: {  	v15 =	vmin.f32 v18, v15;
	[tilespmem:s1+$0x8400] =	vst v16  }
0x61: {  	s23 =	simm.s32 $0x0;
	[tilespmem:s1+$0x8600] =	vst v15  }
0x62: {  	[tilespmem:s26], [sflag:$0x1] =	stream.linear.gather [hbm4b:s7+s23], $0x4000, $0x38;
	[tilespmem:$0x14900] =	vst v63  }
0x63: {  	_ =	swait.ge [sflag:s20], $0x4000  }
0x64: {  	[sflag:s20] =	ssyncset.done $0x0  }
0x65: {  	[sflag:s20] =	ssyncadd.s32 $0xFFFFC000  }
0x66: {  	v16 =	vmov s23;
	[tilespmem:s28], [sflag:$0x1] =	stream.linear.gather [hbm4b:s8+s23], $0x4000, $0x38;
	[tilespmem:$0x14900] =	vst v63  }
0x67: {  	_ =	swait.ge [sflag:s20], $0x4000  }
0x68: {  	[sflag:s20] =	ssyncset.done $0x0  }
0x69: {  	s3 =	simm.s32 $0x8940;
	[sflag:s20] =	ssyncadd.s32 $0xFFFFC000  }
0x6a: {  	v17 =	vld [tilespmem:s3+$0xFFFFFFC0]  }
0x6b: {  	v15 =	vld.idx.msk [tilespmem:v16+s29+$0x0], $0xffff  }
0x6c: {  	s1 =	simm.s32 $0xC940;
	v16 =	vld.idx.msk [tilespmem:v16+s30+$0x0], $0xffff  }
0x6d: {  	v18 =	vld [tilespmem:s1+$0xFFFFFFC0];
	_ =	sdelay $0x4  }
0x6e: {  	v17 =	vmul.f32 v17, v15;
	v18 =	vmul.f32 v18, v16;
	_ =	sdelay $0x1  }
0x6f: {  	v17 =	vadd.f32 v17, v18  }
0x70: {  	s2 =	simm.s32 $0x10940  }
0x71: {  	[tilespmem:s2+$0xFFFFFFC0] =	vst v17  }
0x72: {  	v17 =	vld [tilespmem:s1+$0xFFFFFFD0]  }
0x73: {  	v18 =	vld [tilespmem:s3+$0xFFFFFFD0];
	_ =	sdelay $0x4  }
0x74: {  	v17 =	vmul.f32 v17, v16;
	v18 =	vmul.f32 v18, v15;
	_ =	sdelay $0x1  }
0x75: {  	v17 =	vadd.f32 v18, v17;
	_ =	sdelay $0x1  }
0x76: {  	[tilespmem:s2+$0xFFFFFFD0] =	vst v17  }
0x77: {  	v17 =	vld [tilespmem:s1+$0xFFFFFFE0]  }
0x78: {  	v18 =	vld [tilespmem:s3+$0xFFFFFFE0];
	_ =	sdelay $0x4  }
0x79: {  	v17 =	vmul.f32 v17, v16;
	v18 =	vmul.f32 v18, v15;
	_ =	sdelay $0x1  }
0x7a: {  	v17 =	vadd.f32 v18, v17;
	_ =	sdelay $0x1  }
0x7b: {  	[tilespmem:s2+$0xFFFFFFE0] =	vst v17  }
0x7c: {  	v17 =	vld [tilespmem:s1+$0xFFFFFFF0]  }
0x7d: {  	v18 =	vld [tilespmem:s3+$0xFFFFFFF0];
	_ =	sdelay $0x4  }
0x7e: {  	v17 =	vmul.f32 v17, v16;
	v18 =	vmul.f32 v18, v15;
	_ =	sdelay $0x1  }
0x7f: {  	v17 =	vadd.f32 v18, v17;
	_ =	sdelay $0x1  }
0x80: {  	[tilespmem:s2+$0xFFFFFFF0] =	vst v17  }
0x81: {  	v17 =	vld [tilespmem:s1+$0x0]  }
0x82: {  	v18 =	vld [tilespmem:s3+$0x0];
	_ =	sdelay $0x4  }
0x83: {  	v17 =	vmul.f32 v17, v16;
	v18 =	vmul.f32 v18, v15;
	_ =	sdelay $0x1  }
0x84: {  	v17 =	vadd.f32 v18, v17;
	_ =	sdelay $0x1  }
0x85: {  	[tilespmem:s2+$0x0] =	vst v17  }
0x86: {  	v17 =	vld [tilespmem:s1+$0x10]  }
0x87: {  	v18 =	vld [tilespmem:s3+$0x10];
	_ =	sdelay $0x4  }
0x88: {  	v17 =	vmul.f32 v17, v16;
	v18 =	vmul.f32 v18, v15;
	_ =	sdelay $0x1  }
0x89: {  	v17 =	vadd.f32 v18, v17;
	_ =	sdelay $0x1  }
0x8a: {  	[tilespmem:s2+$0x10] =	vst v17  }
0x8b: {  	v17 =	vld [tilespmem:s1+$0x20]  }
0x8c: {  	v18 =	vld [tilespmem:s3+$0x20];
	_ =	sdelay $0x4  }
0x8d: {  	v17 =	vmul.f32 v17, v16;
	v18 =	vmul.f32 v18, v15;
	_ =	sdelay $0x1  }
0x8e: {  	v17 =	vadd.f32 v18, v17;
	_ =	sdelay $0x1  }
0x8f: {  	[tilespmem:s2+$0x20] =	vst v17  }
0x90: {  	v17 =	vld [tilespmem:s1+$0x30]  }
0x91: {  	s22 =	simm.s32 $0x1;
	s21 =	simm.s32 $0x10940;
	v18 =	vld [tilespmem:s3+$0x30]  }
.LBB2_6:
0x92: {  	s3 =	sadd.s32 $0x80, s3;
	s2 =	sadd.s32 $0x80, s2;
	s1 =	sadd.s32 $0x80, s1  }
0x93: {  	p0 =	sne.s32 s22, $0x7F;
	s23 =	smov.u32 s22;
	s22 =	sadd.s32 $0x1, s22  }
0x94: {  	_ = 	snop  }
0x95: {  	v16 =	vmul.f32 v17, v16  }
0x96: {  	v15 =	vmul.f32 v18, v15  }
0x97: {  	v17 =	vmov s23  }
0x98: {  	v15 =	vadd.f32 v15, v16;
	_ =	sdelay $0x1  }
0x99: {  	[tilespmem:s21+$0x30] =	vst v15;
	s21 =	smov.u32 s2  }
0x9a: {  	v18 =	vld [tilespmem:s3+$0xFFFFFFC0]  }
0x9b: {  	v15 =	vld.idx.msk [tilespmem:v17+s29+$0x0], $0xffff  }
0x9c: {  	v16 =	vld.idx.msk [tilespmem:v17+s30+$0x0], $0xffff  }
0x9d: {  	v17 =	vld [tilespmem:s1+$0xFFFFFFC0];
	_ =	sdelay $0x3  }
0x9e: {  	v18 =	vmul.f32 v18, v15  }
0x9f: {  	v17 =	vmul.f32 v17, v16;
	_ =	sdelay $0x1  }
0xa0: {  	v17 =	vadd.f32 v18, v17;
	_ =	sdelay $0x1  }
0xa1: {  	[tilespmem:s2+$0xFFFFFFC0] =	vst v17  }
0xa2: {  	v17 =	vld [tilespmem:s1+$0xFFFFFFD0]  }
0xa3: {  	v18 =	vld [tilespmem:s3+$0xFFFFFFD0];
	_ =	sdelay $0x3  }
0xa4: {  	v17 =	vmul.f32 v17, v16  }
0xa5: {  	v18 =	vmul.f32 v18, v15;
	_ =	sdelay $0x1  }
0xa6: {  	v17 =	vadd.f32 v18, v17;
	_ =	sdelay $0x1  }
0xa7: {  	[tilespmem:s2+$0xFFFFFFD0] =	vst v17  }
0xa8: {  	v17 =	vld [tilespmem:s1+$0xFFFFFFE0]  }
0xa9: {  	v18 =	vld [tilespmem:s3+$0xFFFFFFE0];
	_ =	sdelay $0x3  }
0xaa: {  	v17 =	vmul.f32 v17, v16  }
0xab: {  	v18 =	vmul.f32 v18, v15;
	_ =	sdelay $0x1  }
0xac: {  	v17 =	vadd.f32 v18, v17;
	_ =	sdelay $0x1  }
0xad: {  	[tilespmem:s2+$0xFFFFFFE0] =	vst v17  }
0xae: {  	v17 =	vld [tilespmem:s1+$0xFFFFFFF0]  }
0xaf: {  	v18 =	vld [tilespmem:s3+$0xFFFFFFF0];
	_ =	sdelay $0x3  }
0xb0: {  	v17 =	vmul.f32 v17, v16  }
0xb1: {  	v18 =	vmul.f32 v18, v15;
	_ =	sdelay $0x1  }
0xb2: {  	v17 =	vadd.f32 v18, v17;
	_ =	sdelay $0x1  }
0xb3: {  	[tilespmem:s2+$0xFFFFFFF0] =	vst v17  }
0xb4: {  	v17 =	vld [tilespmem:s1+$0x0]  }
0xb5: {  	v18 =	vld [tilespmem:s3+$0x0];
	_ =	sdelay $0x3  }
0xb6: {  	v17 =	vmul.f32 v17, v16  }
0xb7: {  	v18 =	vmul.f32 v18, v15;
	_ =	sdelay $0x1  }
0xb8: {  	v17 =	vadd.f32 v18, v17;
	_ =	sdelay $0x1  }
0xb9: {  	[tilespmem:s2+$0x0] =	vst v17  }
0xba: {  	v17 =	vld [tilespmem:s1+$0x10]  }
0xbb: {  	v18 =	vld [tilespmem:s3+$0x10];
	_ =	sdelay $0x3  }
0xbc: {  	v17 =	vmul.f32 v17, v16  }
0xbd: {  	v18 =	vmul.f32 v18, v15;
	_ =	sdelay $0x1  }
0xbe: {  	v17 =	vadd.f32 v18, v17;
	_ =	sdelay $0x1  }
0xbf: {  	[tilespmem:s2+$0x10] =	vst v17  }
0xc0: {  	v17 =	vld [tilespmem:s1+$0x20]  }
0xc1: {  	v18 =	vld [tilespmem:s3+$0x20];
	_ =	sdelay $0x3  }
0xc2: {  	v17 =	vmul.f32 v17, v16  }
0xc3: {  	v18 =	vmul.f32 v18, v15;
	_ =	sdelay $0x1  }
.Ltmp2:
0xc4: {  	v17 =	vadd.f32 v18, v17;
	(pc) =	sbr.rel @p0 .LBB2_6-.Ltmp2, $4  }
0xc5: {  	_ = 	snop  }
0xc6: {  	[tilespmem:s2+$0x20] =	vst v17  }
0xc7: {  	v17 =	vld [tilespmem:s1+$0x30]  }
0xc8: {  	v18 =	vld [tilespmem:s3+$0x30]  }
0xc9: {  	_ =	sdelay $0x3  }
0xca: {  	v16 =	vmul.f32 v17, v16;
	v15 =	vmul.f32 v18, v15;
	_ =	sdelay $0x1  }
0xcb: {  	v15 =	vadd.f32 v15, v16;
	_ =	sdelay $0x1  }
0xcc: {  	[tilespmem:s21+$0x30] =	vst v15  }
0xcd: {  	[hbm4b:s9+s4] =	stream.linear.scatter [tilespmem:s31], [sflag:$0x1], $0x4000, $0x38;
	[tilespmem:$0x14900] =	vst v63  }
0xce: {  	_ =	swait.ge [sflag:s20], $0x4000  }
0xcf: {  	[sflag:s20] =	ssyncset.done $0x0  }
0xd0: {  	[sflag:s20] =	ssyncadd.s32 $0xFFFFC000  }
0xd1: {  	[tilespmem:s26], [sflag:$0x1] =	stream.linear.gather [hbm4b:s10+s4], $0x4000, $0x38;
	[tilespmem:$0x14900] =	vst v63  }
0xd2: {  	_ =	swait.ge [sflag:s20], $0x4000  }
0xd3: {  	[sflag:s20] =	ssyncset.done $0x0  }
0xd4: {  	s1 =	simm.s32 $0x80;
	[sflag:s20] =	ssyncadd.s32 $0xFFFFC000  }
0xd5: {  	v16 =	vmov s1;
	[tilespmem:s28], [sflag:$0x1] =	stream.linear.gather [hbm4b:s11+s4], $0x4000, $0x38;
	[tilespmem:$0x14900] =	vst v63  }
0xd6: {  	_ =	swait.ge [sflag:s20], $0x4000  }
0xd7: {  	[sflag:s20] =	ssyncset.done $0x0  }
0xd8: {  	s3 =	simm.s32 $0x8940;
	[sflag:s20] =	ssyncadd.s32 $0xFFFFC000  }
0xd9: {  	v17 =	vld [tilespmem:s3+$0xFFFFFFC0]  }
0xda: {  	v15 =	vld.idx.msk [tilespmem:v16+s29+$0x0], $0xffff  }
0xdb: {  	s1 =	simm.s32 $0xC940;
	v16 =	vld.idx.msk [tilespmem:v16+s30+$0x0], $0xffff  }
0xdc: {  	v18 =	vld [tilespmem:s1+$0xFFFFFFC0];
	_ =	sdelay $0x4  }
0xdd: {  	v17 =	vmul.f32 v17, v15;
	v18 =	vmul.f32 v18, v16;
	_ =	sdelay $0x1  }
0xde: {  	v17 =	vadd.f32 v17, v18  }
0xdf: {  	s2 =	simm.s32 $0x10940  }
0xe0: {  	[tilespmem:s2+$0xFFFFFFC0] =	vst v17  }
0xe1: {  	v17 =	vld [tilespmem:s1+$0xFFFFFFD0]  }
0xe2: {  	v18 =	vld [tilespmem:s3+$0xFFFFFFD0];
	_ =	sdelay $0x4  }
0xe3: {  	v17 =	vmul.f32 v17, v16;
	v18 =	vmul.f32 v18, v15;
	_ =	sdelay $0x1  }
0xe4: {  	v17 =	vadd.f32 v18, v17;
	_ =	sdelay $0x1  }
0xe5: {  	[tilespmem:s2+$0xFFFFFFD0] =	vst v17  }
0xe6: {  	v17 =	vld [tilespmem:s1+$0xFFFFFFE0]  }
0xe7: {  	v18 =	vld [tilespmem:s3+$0xFFFFFFE0];
	_ =	sdelay $0x4  }
0xe8: {  	v17 =	vmul.f32 v17, v16;
	v18 =	vmul.f32 v18, v15;
	_ =	sdelay $0x1  }
0xe9: {  	v17 =	vadd.f32 v18, v17;
	_ =	sdelay $0x1  }
0xea: {  	[tilespmem:s2+$0xFFFFFFE0] =	vst v17  }
0xeb: {  	v17 =	vld [tilespmem:s1+$0xFFFFFFF0]  }
0xec: {  	v18 =	vld [tilespmem:s3+$0xFFFFFFF0];
	_ =	sdelay $0x4  }
0xed: {  	v17 =	vmul.f32 v17, v16;
	v18 =	vmul.f32 v18, v15;
	_ =	sdelay $0x1  }
0xee: {  	v17 =	vadd.f32 v18, v17;
	_ =	sdelay $0x1  }
0xef: {  	[tilespmem:s2+$0xFFFFFFF0] =	vst v17  }
0xf0: {  	v17 =	vld [tilespmem:s1+$0x0]  }
0xf1: {  	v18 =	vld [tilespmem:s3+$0x0];
	_ =	sdelay $0x4  }
0xf2: {  	v17 =	vmul.f32 v17, v16;
	v18 =	vmul.f32 v18, v15;
	_ =	sdelay $0x1  }
0xf3: {  	v17 =	vadd.f32 v18, v17;
	_ =	sdelay $0x1  }
0xf4: {  	[tilespmem:s2+$0x0] =	vst v17  }
0xf5: {  	v17 =	vld [tilespmem:s1+$0x10]  }
0xf6: {  	v18 =	vld [tilespmem:s3+$0x10];
	_ =	sdelay $0x4  }
0xf7: {  	v17 =	vmul.f32 v17, v16;
	v18 =	vmul.f32 v18, v15;
	_ =	sdelay $0x1  }
0xf8: {  	v17 =	vadd.f32 v18, v17;
	_ =	sdelay $0x1  }
0xf9: {  	[tilespmem:s2+$0x10] =	vst v17  }
0xfa: {  	v17 =	vld [tilespmem:s1+$0x20]  }
0xfb: {  	v18 =	vld [tilespmem:s3+$0x20];
	_ =	sdelay $0x4  }
0xfc: {  	v17 =	vmul.f32 v17, v16;
	v18 =	vmul.f32 v18, v15;
	_ =	sdelay $0x1  }
0xfd: {  	v17 =	vadd.f32 v18, v17;
	_ =	sdelay $0x1  }
0xfe: {  	[tilespmem:s2+$0x20] =	vst v17  }
0xff: {  	v17 =	vld [tilespmem:s1+$0x30]  }
0x100: {  	s22 =	simm.s32 $0x81;
	s21 =	simm.s32 $0x10940;
	v18 =	vld [tilespmem:s3+$0x30]  }
.LBB2_8:
0x101: {  	s3 =	sadd.s32 $0x80, s3;
	s2 =	sadd.s32 $0x80, s2;
	s1 =	sadd.s32 $0x80, s1  }
0x102: {  	p0 =	sne.s32 s22, $0xFF;
	s23 =	smov.u32 s22;
	s22 =	sadd.s32 $0x1, s22  }
0x103: {  	_ = 	snop  }
0x104: {  	v16 =	vmul.f32 v17, v16  }
0x105: {  	v15 =	vmul.f32 v18, v15  }
0x106: {  	v17 =	vmov s23  }
0x107: {  	v15 =	vadd.f32 v15, v16;
	_ =	sdelay $0x1  }
0x108: {  	[tilespmem:s21+$0x30] =	vst v15;
	s21 =	smov.u32 s2  }
0x109: {  	v18 =	vld [tilespmem:s3+$0xFFFFFFC0]  }
0x10a: {  	v15 =	vld.idx.msk [tilespmem:v17+s29+$0x0], $0xffff  }
0x10b: {  	v16 =	vld.idx.msk [tilespmem:v17+s30+$0x0], $0xffff  }
0x10c: {  	v17 =	vld [tilespmem:s1+$0xFFFFFFC0];
	_ =	sdelay $0x3  }
0x10d: {  	v18 =	vmul.f32 v18, v15  }
0x10e: {  	v17 =	vmul.f32 v17, v16;
	_ =	sdelay $0x1  }
0x10f: {  	v17 =	vadd.f32 v18, v17;
	_ =	sdelay $0x1  }
0x110: {  	[tilespmem:s2+$0xFFFFFFC0] =	vst v17  }
0x111: {  	v17 =	vld [tilespmem:s1+$0xFFFFFFD0]  }
0x112: {  	v18 =	vld [tilespmem:s3+$0xFFFFFFD0];
	_ =	sdelay $0x3  }
0x113: {  	v17 =	vmul.f32 v17, v16  }
0x114: {  	v18 =	vmul.f32 v18, v15;
	_ =	sdelay $0x1  }
0x115: {  	v17 =	vadd.f32 v18, v17;
	_ =	sdelay $0x1  }
0x116: {  	[tilespmem:s2+$0xFFFFFFD0] =	vst v17  }
0x117: {  	v17 =	vld [tilespmem:s1+$0xFFFFFFE0]  }
0x118: {  	v18 =	vld [tilespmem:s3+$0xFFFFFFE0];
	_ =	sdelay $0x3  }
0x119: {  	v17 =	vmul.f32 v17, v16  }
0x11a: {  	v18 =	vmul.f32 v18, v15;
	_ =	sdelay $0x1  }
0x11b: {  	v17 =	vadd.f32 v18, v17;
	_ =	sdelay $0x1  }
0x11c: {  	[tilespmem:s2+$0xFFFFFFE0] =	vst v17  }
0x11d: {  	v17 =	vld [tilespmem:s1+$0xFFFFFFF0]  }
0x11e: {  	v18 =	vld [tilespmem:s3+$0xFFFFFFF0];
	_ =	sdelay $0x3  }
0x11f: {  	v17 =	vmul.f32 v17, v16  }
0x120: {  	v18 =	vmul.f32 v18, v15;
	_ =	sdelay $0x1  }
0x121: {  	v17 =	vadd.f32 v18, v17;
	_ =	sdelay $0x1  }
0x122: {  	[tilespmem:s2+$0xFFFFFFF0] =	vst v17  }
0x123: {  	v17 =	vld [tilespmem:s1+$0x0]  }
0x124: {  	v18 =	vld [tilespmem:s3+$0x0];
	_ =	sdelay $0x3  }
0x125: {  	v17 =	vmul.f32 v17, v16  }
0x126: {  	v18 =	vmul.f32 v18, v15;
	_ =	sdelay $0x1  }
0x127: {  	v17 =	vadd.f32 v18, v17;
	_ =	sdelay $0x1  }
0x128: {  	[tilespmem:s2+$0x0] =	vst v17  }
0x129: {  	v17 =	vld [tilespmem:s1+$0x10]  }
0x12a: {  	v18 =	vld [tilespmem:s3+$0x10];
	_ =	sdelay $0x3  }
0x12b: {  	v17 =	vmul.f32 v17, v16  }
0x12c: {  	v18 =	vmul.f32 v18, v15;
	_ =	sdelay $0x1  }
0x12d: {  	v17 =	vadd.f32 v18, v17;
	_ =	sdelay $0x1  }
0x12e: {  	[tilespmem:s2+$0x10] =	vst v17  }
0x12f: {  	v17 =	vld [tilespmem:s1+$0x20]  }
0x130: {  	v18 =	vld [tilespmem:s3+$0x20];
	_ =	sdelay $0x3  }
0x131: {  	v17 =	vmul.f32 v17, v16  }
0x132: {  	v18 =	vmul.f32 v18, v15;
	_ =	sdelay $0x1  }
.Ltmp3:
0x133: {  	v17 =	vadd.f32 v18, v17;
	(pc) =	sbr.rel @p0 .LBB2_8-.Ltmp3, $4  }
0x134: {  	_ = 	snop  }
0x135: {  	[tilespmem:s2+$0x20] =	vst v17  }
0x136: {  	v17 =	vld [tilespmem:s1+$0x30]  }
0x137: {  	v18 =	vld [tilespmem:s3+$0x30]  }
0x138: {  	_ =	sdelay $0x3  }
0x139: {  	v16 =	vmul.f32 v17, v16;
	v15 =	vmul.f32 v18, v15;
	_ =	sdelay $0x1  }
0x13a: {  	v15 =	vadd.f32 v15, v16;
	_ =	sdelay $0x1  }
0x13b: {  	[tilespmem:s21+$0x30] =	vst v15  }
0x13c: {  	[hbm4b:s12+s4] =	stream.linear.scatter [tilespmem:s31], [sflag:$0x1], $0x4000, $0x38;
	[tilespmem:$0x14900] =	vst v63  }
0x13d: {  	_ =	swait.ge [sflag:s20], $0x4000  }
0x13e: {  	[sflag:s20] =	ssyncset.done $0x0  }
0x13f: {  	[sflag:s20] =	ssyncadd.s32 $0xFFFFC000  }
0x140: {  	[tilespmem:s26], [sflag:$0x1] =	stream.linear.gather [hbm4b:s13+s4], $0x4000, $0x38;
	[tilespmem:$0x14900] =	vst v63  }
0x141: {  	_ =	swait.ge [sflag:s20], $0x4000  }
0x142: {  	[sflag:s20] =	ssyncset.done $0x0  }
0x143: {  	s1 =	simm.s32 $0x100;
	[sflag:s20] =	ssyncadd.s32 $0xFFFFC000  }
0x144: {  	v16 =	vmov s1;
	[tilespmem:s28], [sflag:$0x1] =	stream.linear.gather [hbm4b:s14+s4], $0x4000, $0x38;
	[tilespmem:$0x14900] =	vst v63  }
0x145: {  	_ =	swait.ge [sflag:s20], $0x4000  }
0x146: {  	[sflag:s20] =	ssyncset.done $0x0  }
0x147: {  	s3 =	simm.s32 $0x8940;
	[sflag:s20] =	ssyncadd.s32 $0xFFFFC000  }
0x148: {  	v17 =	vld [tilespmem:s3+$0xFFFFFFC0]  }
0x149: {  	v15 =	vld.idx.msk [tilespmem:v16+s29+$0x0], $0xffff  }
0x14a: {  	s1 =	simm.s32 $0xC940;
	v16 =	vld.idx.msk [tilespmem:v16+s30+$0x0], $0xffff  }
0x14b: {  	v18 =	vld [tilespmem:s1+$0xFFFFFFC0];
	_ =	sdelay $0x4  }
0x14c: {  	v17 =	vmul.f32 v17, v15;
	v18 =	vmul.f32 v18, v16;
	_ =	sdelay $0x1  }
0x14d: {  	v17 =	vadd.f32 v17, v18  }
0x14e: {  	s2 =	simm.s32 $0x10940  }
0x14f: {  	[tilespmem:s2+$0xFFFFFFC0] =	vst v17  }
0x150: {  	v17 =	vld [tilespmem:s1+$0xFFFFFFD0]  }
0x151: {  	v18 =	vld [tilespmem:s3+$0xFFFFFFD0];
	_ =	sdelay $0x4  }
0x152: {  	v17 =	vmul.f32 v17, v16;
	v18 =	vmul.f32 v18, v15;
	_ =	sdelay $0x1  }
0x153: {  	v17 =	vadd.f32 v18, v17;
	_ =	sdelay $0x1  }
0x154: {  	[tilespmem:s2+$0xFFFFFFD0] =	vst v17  }
0x155: {  	v17 =	vld [tilespmem:s1+$0xFFFFFFE0]  }
0x156: {  	v18 =	vld [tilespmem:s3+$0xFFFFFFE0];
	_ =	sdelay $0x4  }
0x157: {  	v17 =	vmul.f32 v17, v16;
	v18 =	vmul.f32 v18, v15;
	_ =	sdelay $0x1  }
0x158: {  	v17 =	vadd.f32 v18, v17;
	_ =	sdelay $0x1  }
0x159: {  	[tilespmem:s2+$0xFFFFFFE0] =	vst v17  }
0x15a: {  	v17 =	vld [tilespmem:s1+$0xFFFFFFF0]  }
0x15b: {  	v18 =	vld [tilespmem:s3+$0xFFFFFFF0];
	_ =	sdelay $0x4  }
0x15c: {  	v17 =	vmul.f32 v17, v16;
	v18 =	vmul.f32 v18, v15;
	_ =	sdelay $0x1  }
0x15d: {  	v17 =	vadd.f32 v18, v17;
	_ =	sdelay $0x1  }
0x15e: {  	[tilespmem:s2+$0xFFFFFFF0] =	vst v17  }
0x15f: {  	v17 =	vld [tilespmem:s1+$0x0]  }
0x160: {  	v18 =	vld [tilespmem:s3+$0x0];
	_ =	sdelay $0x4  }
0x161: {  	v17 =	vmul.f32 v17, v16;
	v18 =	vmul.f32 v18, v15;
	_ =	sdelay $0x1  }
0x162: {  	v17 =	vadd.f32 v18, v17;
	_ =	sdelay $0x1  }
0x163: {  	[tilespmem:s2+$0x0] =	vst v17  }
0x164: {  	v17 =	vld [tilespmem:s1+$0x10]  }
0x165: {  	v18 =	vld [tilespmem:s3+$0x10];
	_ =	sdelay $0x4  }
0x166: {  	v17 =	vmul.f32 v17, v16;
	v18 =	vmul.f32 v18, v15;
	_ =	sdelay $0x1  }
0x167: {  	v17 =	vadd.f32 v18, v17;
	_ =	sdelay $0x1  }
0x168: {  	[tilespmem:s2+$0x10] =	vst v17  }
0x169: {  	v17 =	vld [tilespmem:s1+$0x20]  }
0x16a: {  	v18 =	vld [tilespmem:s3+$0x20];
	_ =	sdelay $0x4  }
0x16b: {  	v17 =	vmul.f32 v17, v16;
	v18 =	vmul.f32 v18, v15;
	_ =	sdelay $0x1  }
0x16c: {  	v17 =	vadd.f32 v18, v17;
	_ =	sdelay $0x1  }
0x16d: {  	[tilespmem:s2+$0x20] =	vst v17  }
0x16e: {  	v17 =	vld [tilespmem:s1+$0x30]  }
0x16f: {  	s22 =	simm.s32 $0x101;
	s21 =	simm.s32 $0x10940;
	v18 =	vld [tilespmem:s3+$0x30]  }
.LBB2_10:
0x170: {  	s3 =	sadd.s32 $0x80, s3;
	s2 =	sadd.s32 $0x80, s2;
	s1 =	sadd.s32 $0x80, s1  }
0x171: {  	p0 =	sne.s32 s22, $0x17F;
	s23 =	smov.u32 s22;
	s22 =	sadd.s32 $0x1, s22  }
0x172: {  	_ = 	snop  }
0x173: {  	v16 =	vmul.f32 v17, v16  }
0x174: {  	v15 =	vmul.f32 v18, v15  }
0x175: {  	v17 =	vmov s23  }
0x176: {  	v15 =	vadd.f32 v15, v16;
	_ =	sdelay $0x1  }
0x177: {  	[tilespmem:s21+$0x30] =	vst v15;
	s21 =	smov.u32 s2  }
0x178: {  	v18 =	vld [tilespmem:s3+$0xFFFFFFC0]  }
0x179: {  	v15 =	vld.idx.msk [tilespmem:v17+s29+$0x0], $0xffff  }
0x17a: {  	v16 =	vld.idx.msk [tilespmem:v17+s30+$0x0], $0xffff  }
0x17b: {  	v17 =	vld [tilespmem:s1+$0xFFFFFFC0];
	_ =	sdelay $0x3  }
0x17c: {  	v18 =	vmul.f32 v18, v15  }
0x17d: {  	v17 =	vmul.f32 v17, v16;
	_ =	sdelay $0x1  }
0x17e: {  	v17 =	vadd.f32 v18, v17;
	_ =	sdelay $0x1  }
0x17f: {  	[tilespmem:s2+$0xFFFFFFC0] =	vst v17  }
0x180: {  	v17 =	vld [tilespmem:s1+$0xFFFFFFD0]  }
0x181: {  	v18 =	vld [tilespmem:s3+$0xFFFFFFD0];
	_ =	sdelay $0x3  }
0x182: {  	v17 =	vmul.f32 v17, v16  }
0x183: {  	v18 =	vmul.f32 v18, v15;
	_ =	sdelay $0x1  }
0x184: {  	v17 =	vadd.f32 v18, v17;
	_ =	sdelay $0x1  }
0x185: {  	[tilespmem:s2+$0xFFFFFFD0] =	vst v17  }
0x186: {  	v17 =	vld [tilespmem:s1+$0xFFFFFFE0]  }
0x187: {  	v18 =	vld [tilespmem:s3+$0xFFFFFFE0];
	_ =	sdelay $0x3  }
0x188: {  	v17 =	vmul.f32 v17, v16  }
0x189: {  	v18 =	vmul.f32 v18, v15;
	_ =	sdelay $0x1  }
0x18a: {  	v17 =	vadd.f32 v18, v17;
	_ =	sdelay $0x1  }
0x18b: {  	[tilespmem:s2+$0xFFFFFFE0] =	vst v17  }
0x18c: {  	v17 =	vld [tilespmem:s1+$0xFFFFFFF0]  }
0x18d: {  	v18 =	vld [tilespmem:s3+$0xFFFFFFF0];
	_ =	sdelay $0x3  }
0x18e: {  	v17 =	vmul.f32 v17, v16  }
0x18f: {  	v18 =	vmul.f32 v18, v15;
	_ =	sdelay $0x1  }
0x190: {  	v17 =	vadd.f32 v18, v17;
	_ =	sdelay $0x1  }
0x191: {  	[tilespmem:s2+$0xFFFFFFF0] =	vst v17  }
0x192: {  	v17 =	vld [tilespmem:s1+$0x0]  }
0x193: {  	v18 =	vld [tilespmem:s3+$0x0];
	_ =	sdelay $0x3  }
0x194: {  	v17 =	vmul.f32 v17, v16  }
0x195: {  	v18 =	vmul.f32 v18, v15;
	_ =	sdelay $0x1  }
0x196: {  	v17 =	vadd.f32 v18, v17;
	_ =	sdelay $0x1  }
0x197: {  	[tilespmem:s2+$0x0] =	vst v17  }
0x198: {  	v17 =	vld [tilespmem:s1+$0x10]  }
0x199: {  	v18 =	vld [tilespmem:s3+$0x10];
	_ =	sdelay $0x3  }
0x19a: {  	v17 =	vmul.f32 v17, v16  }
0x19b: {  	v18 =	vmul.f32 v18, v15;
	_ =	sdelay $0x1  }
0x19c: {  	v17 =	vadd.f32 v18, v17;
	_ =	sdelay $0x1  }
0x19d: {  	[tilespmem:s2+$0x10] =	vst v17  }
0x19e: {  	v17 =	vld [tilespmem:s1+$0x20]  }
0x19f: {  	v18 =	vld [tilespmem:s3+$0x20];
	_ =	sdelay $0x3  }
0x1a0: {  	v17 =	vmul.f32 v17, v16  }
0x1a1: {  	v18 =	vmul.f32 v18, v15;
	_ =	sdelay $0x1  }
.Ltmp4:
0x1a2: {  	v17 =	vadd.f32 v18, v17;
	(pc) =	sbr.rel @p0 .LBB2_10-.Ltmp4, $4  }
0x1a3: {  	_ = 	snop  }
0x1a4: {  	[tilespmem:s2+$0x20] =	vst v17  }
0x1a5: {  	v17 =	vld [tilespmem:s1+$0x30]  }
0x1a6: {  	v18 =	vld [tilespmem:s3+$0x30]  }
0x1a7: {  	_ =	sdelay $0x3  }
0x1a8: {  	v16 =	vmul.f32 v17, v16;
	v15 =	vmul.f32 v18, v15;
	_ =	sdelay $0x1  }
0x1a9: {  	v15 =	vadd.f32 v15, v16;
	_ =	sdelay $0x1  }
0x1aa: {  	[tilespmem:s21+$0x30] =	vst v15  }
0x1ab: {  	[hbm4b:s15+s4] =	stream.linear.scatter [tilespmem:s31], [sflag:$0x1], $0x4000, $0x38;
	[tilespmem:$0x14900] =	vst v63  }
0x1ac: {  	_ =	swait.ge [sflag:s20], $0x4000  }
0x1ad: {  	[sflag:s20] =	ssyncset.done $0x0  }
0x1ae: {  	[sflag:s20] =	ssyncadd.s32 $0xFFFFC000  }
0x1af: {  	[tilespmem:s26], [sflag:$0x1] =	stream.linear.gather [hbm4b:s16+s4], $0x4000, $0x38;
	[tilespmem:$0x14900] =	vst v63  }
0x1b0: {  	_ =	swait.ge [sflag:s20], $0x4000  }
0x1b1: {  	[sflag:s20] =	ssyncset.done $0x0  }
0x1b2: {  	s1 =	simm.s32 $0x180;
	[sflag:s20] =	ssyncadd.s32 $0xFFFFC000  }
0x1b3: {  	v16 =	vmov s1;
	[tilespmem:s28], [sflag:$0x1] =	stream.linear.gather [hbm4b:s17+s4], $0x4000, $0x38;
	[tilespmem:$0x14900] =	vst v63  }
0x1b4: {  	_ =	swait.ge [sflag:s20], $0x4000  }
0x1b5: {  	[sflag:s20] =	ssyncset.done $0x0  }
0x1b6: {  	s3 =	simm.s32 $0x8940;
	[sflag:s20] =	ssyncadd.s32 $0xFFFFC000  }
0x1b7: {  	v17 =	vld [tilespmem:s3+$0xFFFFFFC0]  }
0x1b8: {  	v15 =	vld.idx.msk [tilespmem:v16+s29+$0x0], $0xffff  }
0x1b9: {  	s1 =	simm.s32 $0xC940;
	v16 =	vld.idx.msk [tilespmem:v16+s30+$0x0], $0xffff  }
0x1ba: {  	v18 =	vld [tilespmem:s1+$0xFFFFFFC0];
	_ =	sdelay $0x4  }
0x1bb: {  	v17 =	vmul.f32 v17, v15;
	v18 =	vmul.f32 v18, v16;
	_ =	sdelay $0x1  }
0x1bc: {  	v17 =	vadd.f32 v17, v18  }
0x1bd: {  	s2 =	simm.s32 $0x10940  }
0x1be: {  	[tilespmem:s2+$0xFFFFFFC0] =	vst v17  }
0x1bf: {  	v17 =	vld [tilespmem:s1+$0xFFFFFFD0]  }
0x1c0: {  	v18 =	vld [tilespmem:s3+$0xFFFFFFD0];
	_ =	sdelay $0x4  }
0x1c1: {  	v17 =	vmul.f32 v17, v16;
	v18 =	vmul.f32 v18, v15;
	_ =	sdelay $0x1  }
0x1c2: {  	v17 =	vadd.f32 v18, v17;
	_ =	sdelay $0x1  }
0x1c3: {  	[tilespmem:s2+$0xFFFFFFD0] =	vst v17  }
0x1c4: {  	v17 =	vld [tilespmem:s1+$0xFFFFFFE0]  }
0x1c5: {  	v18 =	vld [tilespmem:s3+$0xFFFFFFE0];
	_ =	sdelay $0x4  }
0x1c6: {  	v17 =	vmul.f32 v17, v16;
	v18 =	vmul.f32 v18, v15;
	_ =	sdelay $0x1  }
0x1c7: {  	v17 =	vadd.f32 v18, v17;
	_ =	sdelay $0x1  }
0x1c8: {  	[tilespmem:s2+$0xFFFFFFE0] =	vst v17  }
0x1c9: {  	v17 =	vld [tilespmem:s1+$0xFFFFFFF0]  }
0x1ca: {  	v18 =	vld [tilespmem:s3+$0xFFFFFFF0];
	_ =	sdelay $0x4  }
0x1cb: {  	v17 =	vmul.f32 v17, v16;
	v18 =	vmul.f32 v18, v15;
	_ =	sdelay $0x1  }
0x1cc: {  	v17 =	vadd.f32 v18, v17;
	_ =	sdelay $0x1  }
0x1cd: {  	[tilespmem:s2+$0xFFFFFFF0] =	vst v17  }
0x1ce: {  	v17 =	vld [tilespmem:s1+$0x0]  }
0x1cf: {  	v18 =	vld [tilespmem:s3+$0x0];
	_ =	sdelay $0x4  }
0x1d0: {  	v17 =	vmul.f32 v17, v16;
	v18 =	vmul.f32 v18, v15;
	_ =	sdelay $0x1  }
0x1d1: {  	v17 =	vadd.f32 v18, v17;
	_ =	sdelay $0x1  }
0x1d2: {  	[tilespmem:s2+$0x0] =	vst v17  }
0x1d3: {  	v17 =	vld [tilespmem:s1+$0x10]  }
0x1d4: {  	v18 =	vld [tilespmem:s3+$0x10];
	_ =	sdelay $0x4  }
0x1d5: {  	v17 =	vmul.f32 v17, v16;
	v18 =	vmul.f32 v18, v15;
	_ =	sdelay $0x1  }
0x1d6: {  	v17 =	vadd.f32 v18, v17;
	_ =	sdelay $0x1  }
0x1d7: {  	[tilespmem:s2+$0x10] =	vst v17  }
0x1d8: {  	v17 =	vld [tilespmem:s1+$0x20]  }
0x1d9: {  	v18 =	vld [tilespmem:s3+$0x20];
	_ =	sdelay $0x4  }
0x1da: {  	v17 =	vmul.f32 v17, v16;
	v18 =	vmul.f32 v18, v15;
	_ =	sdelay $0x1  }
0x1db: {  	v17 =	vadd.f32 v18, v17;
	_ =	sdelay $0x1  }
0x1dc: {  	[tilespmem:s2+$0x20] =	vst v17  }
0x1dd: {  	v17 =	vld [tilespmem:s1+$0x30]  }
0x1de: {  	s22 =	simm.s32 $0x181;
	s21 =	simm.s32 $0x10940;
	v18 =	vld [tilespmem:s3+$0x30]  }
.LBB2_12:
0x1df: {  	s3 =	sadd.s32 $0x80, s3;
	s2 =	sadd.s32 $0x80, s2;
	s1 =	sadd.s32 $0x80, s1  }
0x1e0: {  	p0 =	sne.s32 s22, $0x1FF;
	s23 =	smov.u32 s22;
	s22 =	sadd.s32 $0x1, s22  }
0x1e1: {  	_ = 	snop  }
0x1e2: {  	v16 =	vmul.f32 v17, v16  }
0x1e3: {  	v15 =	vmul.f32 v18, v15  }
0x1e4: {  	v17 =	vmov s23  }
0x1e5: {  	v15 =	vadd.f32 v15, v16;
	_ =	sdelay $0x1  }
0x1e6: {  	[tilespmem:s21+$0x30] =	vst v15;
	s21 =	smov.u32 s2  }
0x1e7: {  	v18 =	vld [tilespmem:s3+$0xFFFFFFC0]  }
0x1e8: {  	v15 =	vld.idx.msk [tilespmem:v17+s29+$0x0], $0xffff  }
0x1e9: {  	v16 =	vld.idx.msk [tilespmem:v17+s30+$0x0], $0xffff  }
0x1ea: {  	v17 =	vld [tilespmem:s1+$0xFFFFFFC0];
	_ =	sdelay $0x3  }
0x1eb: {  	v18 =	vmul.f32 v18, v15  }
0x1ec: {  	v17 =	vmul.f32 v17, v16;
	_ =	sdelay $0x1  }
0x1ed: {  	v17 =	vadd.f32 v18, v17;
	_ =	sdelay $0x1  }
0x1ee: {  	[tilespmem:s2+$0xFFFFFFC0] =	vst v17  }
0x1ef: {  	v17 =	vld [tilespmem:s1+$0xFFFFFFD0]  }
0x1f0: {  	v18 =	vld [tilespmem:s3+$0xFFFFFFD0];
	_ =	sdelay $0x3  }
0x1f1: {  	v17 =	vmul.f32 v17, v16  }
0x1f2: {  	v18 =	vmul.f32 v18, v15;
	_ =	sdelay $0x1  }
0x1f3: {  	v17 =	vadd.f32 v18, v17;
	_ =	sdelay $0x1  }
0x1f4: {  	[tilespmem:s2+$0xFFFFFFD0] =	vst v17  }
0x1f5: {  	v17 =	vld [tilespmem:s1+$0xFFFFFFE0]  }
0x1f6: {  	v18 =	vld [tilespmem:s3+$0xFFFFFFE0];
	_ =	sdelay $0x3  }
0x1f7: {  	v17 =	vmul.f32 v17, v16  }
0x1f8: {  	v18 =	vmul.f32 v18, v15;
	_ =	sdelay $0x1  }
0x1f9: {  	v17 =	vadd.f32 v18, v17;
	_ =	sdelay $0x1  }
0x1fa: {  	[tilespmem:s2+$0xFFFFFFE0] =	vst v17  }
0x1fb: {  	v17 =	vld [tilespmem:s1+$0xFFFFFFF0]  }
0x1fc: {  	v18 =	vld [tilespmem:s3+$0xFFFFFFF0];
	_ =	sdelay $0x3  }
0x1fd: {  	v17 =	vmul.f32 v17, v16  }
0x1fe: {  	v18 =	vmul.f32 v18, v15;
	_ =	sdelay $0x1  }
0x1ff: {  	v17 =	vadd.f32 v18, v17;
	_ =	sdelay $0x1  }
0x200: {  	[tilespmem:s2+$0xFFFFFFF0] =	vst v17  }
0x201: {  	v17 =	vld [tilespmem:s1+$0x0]  }
0x202: {  	v18 =	vld [tilespmem:s3+$0x0];
	_ =	sdelay $0x3  }
0x203: {  	v17 =	vmul.f32 v17, v16  }
0x204: {  	v18 =	vmul.f32 v18, v15;
	_ =	sdelay $0x1  }
0x205: {  	v17 =	vadd.f32 v18, v17;
	_ =	sdelay $0x1  }
0x206: {  	[tilespmem:s2+$0x0] =	vst v17  }
0x207: {  	v17 =	vld [tilespmem:s1+$0x10]  }
0x208: {  	v18 =	vld [tilespmem:s3+$0x10];
	_ =	sdelay $0x3  }
0x209: {  	v17 =	vmul.f32 v17, v16  }
0x20a: {  	v18 =	vmul.f32 v18, v15;
	_ =	sdelay $0x1  }
0x20b: {  	v17 =	vadd.f32 v18, v17;
	_ =	sdelay $0x1  }
0x20c: {  	[tilespmem:s2+$0x10] =	vst v17  }
0x20d: {  	v17 =	vld [tilespmem:s1+$0x20]  }
0x20e: {  	v18 =	vld [tilespmem:s3+$0x20];
	_ =	sdelay $0x3  }
0x20f: {  	v17 =	vmul.f32 v17, v16  }
0x210: {  	v18 =	vmul.f32 v18, v15;
	_ =	sdelay $0x1  }
.Ltmp5:
0x211: {  	v17 =	vadd.f32 v18, v17;
	(pc) =	sbr.rel @p0 .LBB2_12-.Ltmp5, $4  }
0x212: {  	_ = 	snop  }
0x213: {  	[tilespmem:s2+$0x20] =	vst v17  }
0x214: {  	v17 =	vld [tilespmem:s1+$0x30]  }
0x215: {  	v18 =	vld [tilespmem:s3+$0x30]  }
0x216: {  	_ =	sdelay $0x3  }
0x217: {  	v16 =	vmul.f32 v17, v16;
	v15 =	vmul.f32 v18, v15;
	_ =	sdelay $0x1  }
0x218: {  	s0 =	sadd.s32 $0x1, s0;
	v15 =	vadd.f32 v15, v16  }
0x219: {  	p0 =	sne.s32 s0, s19  }
.Ltmp6:
0x21a: {  	[tilespmem:s21+$0x30] =	vst v15;
	(pc) =	sbr.rel @p0 .LBB2_1-.Ltmp6, $4  }
0x21b: {  	[hbm4b:s18+s4] =	stream.linear.scatter [tilespmem:s31], [sflag:$0x1], $0x4000, $0x38;
	[tilespmem:$0x14900] =	vst v63  }
0x21c: {  	_ =	swait.ge [sflag:s20], $0x4000  }
0x21d: {  	[sflag:s20] =	ssyncset.done $0x0  }
0x21e: {  	[sflag:s20] =	ssyncadd.s32 $0xFFFFC000  }
0x21f: {  	_ =	sfence.sel $0x180000  }
0x220: {  	[bflag:$0x0] =	sbarrier.arrive $0xFFFF  }
0x221: {  	_ =	strace $0x90000047  }
0x222: {  	s0 =	stileid.u32;
	[bflag:$0x2] =	sbarrier.arrive $0xFFFF  }
0x223: {  	p0 =	sne.s32 s0, $0x0;
	s0 =	rddreg [dreg:$0x6]  }
0x224: {  	s0 =	sadd.s32 @!p0 $0x100000, s0  }
0x225: {  	[sflag:s0] =	ssyncadd.tile.s32 @!p0 $0x1;
	_ =	shalt  }
.Lfunc_end2:
_tile_overlayer_lowered:
.L_overlay_start_2:
0x226: {  	(tag) =	ssettag $0x2  }
0x227: {  	s0 =	rddreg [dreg:$0x0];
	s2 =	stileid.u32  }
0x228: {  	s1 =	rddreg [dreg:$0x1];
	p0 =	sne.s32 s2, $0x0  }
0x229: {  	s3 =	rddreg [dreg:$0x2];
	[bflag:$0x3] =	sbarrier.arrive $0xFFFF;
	s2 =	simm.s32 @!p0 $0x1C01  }
0x22a: {  	[timem:s3], [sflag:s2] =	dma.local @!p0 [hbm:s0], s1  }
0x22b: {  	s0 =	simm.s32 @!p0 $0x1  }
0x22c: {  	_ =	swait.ge @!p0 [sflag:s0], s1  }
0x22d: {  	s1 =	ssub.s32 @!p0 $0x0, s1;
	[sflag:s0] =	ssyncset.done @!p0 $0x0  }
0x22e: {  	[sflag:s0] =	ssyncadd.s32 @!p0 s1  }
0x22f: {  	[bflag:$0x3] =	sbarrier.arrive $0xFFFF  }
0x230: {  	_ =	shalt  }

</sc_bundles>
